<compile_context>
chip_gen: v7x
topology: tpu7x:2x2x1
jax: 0.10.2.dev20260603
libtpu: 0.0.44.dev20260713+nightly
codegen_flags: <defaults>
</compile_context>

<pallas_src>
import functools

import jax
import jax.numpy as jnp
from jax import lax
from jax.experimental import pallas as pl
from jax.experimental.pallas import tpu as pltpu
from jax.experimental.pallas import tpu_sc as plsc

N_NODES = 10000
N_EDGES = 320000
D = 128

NC = 2
NS = 16
NW = NC * NS
K = 128
NBUF = 4
AGG_DT = jnp.bfloat16
GW = D
N_PAD = 10240
E_PAD = 327680
CHUNKS = E_PAD // (NW * K)
ROWS_PER_TILE = N_PAD // NS


def _sc_aggregate(x, src3, dst3, zrows):
    mesh = plsc.VectorSubcoreMesh(core_axis_name="c", subcore_axis_name="s")

    @functools.partial(
        pl.kernel,
        out_type=(
            jax.ShapeDtypeStruct((NC, N_PAD, D), AGG_DT),
            jax.ShapeDtypeStruct((NW, N_PAD), jnp.float32),
        ),
        mesh=mesh,
        scratch_types=(
            [pltpu.VMEM((K,), jnp.int32) for _ in range(NBUF)]
            + [pltpu.VMEM((K,), jnp.int32) for _ in range(NBUF)]
            + [pltpu.VMEM((K, GW), AGG_DT) for _ in range(NBUF)]
            + [pltpu.VMEM((N_PAD,), jnp.float32)]
            + [pltpu.VMEM_SHARED((N_PAD, D), AGG_DT)]
            + [pltpu.VMEM_SHARED((N_NODES, D), AGG_DT)]
            + [pltpu.SemaphoreType.DMA for _ in range(NBUF)]
        ),
        compiler_params=pltpu.CompilerParams(needs_layout_passes=False,
                                             use_tc_tiling_on_sc=False),
    )
    def agg(x_hbm, src_hbm, dst_hbm, z_hbm, sums_hbm, cnts_hbm, *scratch):
        srcb = scratch[0:NBUF]
        dstb = scratch[NBUF:2 * NBUF]
        buf = scratch[2 * NBUF:3 * NBUF]
        hist_v = scratch[3 * NBUF]
        sums_shared = scratch[3 * NBUF + 1]
        x_shared = scratch[3 * NBUF + 2]
        sem = scratch[3 * NBUF + 3:3 * NBUF + 3 + NBUF]
        cid = lax.axis_index("c")
        sid = lax.axis_index("s")
        wid = cid * NS + sid

        pltpu.sync_copy(z_hbm, sums_shared.at[pl.ds(sid * ROWS_PER_TILE,
                                                    ROWS_PER_TILE)])
        XR = N_NODES // NS
        pltpu.sync_copy(x_hbm.at[pl.ds(sid * XR, XR)],
                        x_shared.at[pl.ds(sid * XR, XR)])

        fz = jnp.zeros((16,), jnp.float32)

        def zero_body(i, carry):
            hist_v[pl.ds(i * 16, 16)] = fz
            return carry

        lax.fori_loop(0, N_PAD // 16, zero_body, 0)

        plsc.subcore_barrier()

        ones16 = jnp.ones((16,), jnp.float32)

        def counts(db):
            for v in range(K // 16):
                dt = db[pl.ds(v * 16, 16)]
                plsc.addupdate_scatter(hist_v, [dt], ones16)

        def load_idx(j, b):
            pltpu.sync_copy(src_hbm.at[wid, j], srcb[b])
            pltpu.sync_copy(dst_hbm.at[wid, j], dstb[b])

        def _x_for(b):
            return x_hbm if b % 2 == 0 else x_shared

        def fire_gather(b):
            pltpu.async_copy(_x_for(b).at[srcb[b]], buf[b], sem[b])

        def wait_gather(b):
            pltpu.make_async_copy(_x_for(b).at[srcb[b]], buf[b], sem[b]).wait()

        for b in range(NBUF - 1):
            load_idx(b, b)
            fire_gather(b)

        def edge_body(t, carry):
            for b in range(NBUF):
                j = NBUF * t + b
                bn = (b + NBUF - 1) % NBUF
                wait_gather(b)

                @pl.when(j + NBUF - 1 < CHUNKS)
                def _():
                    load_idx(j + NBUF - 1, bn)
                    fire_gather(bn)

                pltpu.sync_copy(buf[b], sums_shared.at[dstb[b]], add=True)
                counts(dstb[b])
            return carry

        lax.fori_loop(0, CHUNKS // NBUF, edge_body, 0)

        plsc.subcore_barrier()

        pltpu.sync_copy(
            sums_shared.at[pl.ds(sid * ROWS_PER_TILE, ROWS_PER_TILE)],
            sums_hbm.at[cid, pl.ds(sid * ROWS_PER_TILE, ROWS_PER_TILE)])
        pltpu.sync_copy(hist_v, cnts_hbm.at[wid])

    return agg(x, src3, dst3, zrows)


def _tc_dense(sums, cnts, x, W_l, b_l, W_r):
    BLK = 512
    grid = (pl.cdiv(N_NODES, BLK),)

    def body(sums_ref, cnts_ref, x_ref, wl_ref, bl_ref, wr_ref, out_ref):
        s = (sums_ref[0].astype(jnp.float32) +
             sums_ref[1].astype(jnp.float32))
        c = jnp.sum(cnts_ref[...], axis=0)
        m = s * (1.0 / jnp.maximum(c, 1.0))[:, None]
        acc = lax.dot_general(m, wl_ref[...], (((1,), (1,)), ((), ())),
                              preferred_element_type=jnp.float32)
        acc = acc + lax.dot_general(x_ref[...], wr_ref[...],
                                    (((1,), (1,)), ((), ())),
                                    preferred_element_type=jnp.float32)
        out_ref[...] = jnp.maximum(acc + bl_ref[...], 0.0)

    return pl.pallas_call(
        body,
        grid=grid,
        in_specs=[
            pl.BlockSpec((NC, BLK, D), lambda i: (0, i, 0)),
            pl.BlockSpec((NW, BLK), lambda i: (0, i)),
            pl.BlockSpec((BLK, D), lambda i: (i, 0)),
            pl.BlockSpec((D, D), lambda i: (0, 0)),
            pl.BlockSpec((1, D), lambda i: (0, 0)),
            pl.BlockSpec((D, D), lambda i: (0, 0)),
        ],
        out_specs=pl.BlockSpec((BLK, D), lambda i: (i, 0)),
        out_shape=jax.ShapeDtypeStruct((N_NODES, D), jnp.float32),
    )(sums, cnts, x, W_l, b_l, W_r)


def kernel(x, edge_index, W_l, b_l, W_r):
    ei = edge_index.astype(jnp.int32)
    pad = E_PAD - N_EDGES
    src = jnp.concatenate([ei[0], jnp.zeros((pad,), jnp.int32)])
    dst = jnp.concatenate([ei[1], jnp.full((pad,), N_NODES, jnp.int32)])
    src3 = src.reshape(NW, CHUNKS, K)
    dst3 = dst.reshape(NW, CHUNKS, K)
    zrows = jnp.zeros((ROWS_PER_TILE, D), AGG_DT)

    sums, cnts = _sc_aggregate(x.astype(AGG_DT), src3, dst3, zrows)
    return _tc_dense(sums, cnts, x, W_l, b_l.reshape(1, D), W_r)

# --- scband reference (transcript-rebuilt; emitter-appended) ---
"""Pipeline reference for scband-hetero-message-passing-layer-6116033429951 (READ-ONLY COPY).

The authoritative reference and input builder live on the scoring server;
editing this copy changes nothing except your own understanding.
"""

import jax, jax.numpy as jnp
import numpy as np

N_NODES = 10000
N_EDGES = 320000
D = 128


def setup_inputs(seed: int = 0) -> dict:
    key = jax.random.key(seed)
    k_x, k_e, k_wl, k_wr, k_bl = jax.random.split(key, 5)
    x = jax.random.normal(k_x, (N_NODES, D), dtype=jnp.float32)
    edge_index = jax.random.randint(k_e, (2, N_EDGES), 0, N_NODES, dtype=jnp.int64)
    scale = 1.0 / np.sqrt(D)
    # SAGEConv params: lin_l (neighbor path, with bias), lin_r (root path, no bias)
    W_l = jax.random.uniform(k_wl, (D, D), dtype=jnp.float32, minval=-scale, maxval=scale)
    b_l = jax.random.uniform(k_bl, (D,), dtype=jnp.float32, minval=-scale, maxval=scale)
    W_r = jax.random.uniform(k_wr, (D, D), dtype=jnp.float32, minval=-scale, maxval=scale)
    return {"x": x, "edge_index": edge_index, "W_l": W_l, "b_l": b_l, "W_r": W_r}


def reference(x, edge_index, W_l, b_l, W_r):
    # HeteroMessagePassingLayer with edge_types={('node','to','node'): 'sage'},
    # norm=None (Identity); dropout is stored but never applied in forward.
    # SAGEConv (PyG defaults): out = lin_l(mean_j x_j) + lin_r(x_i), then ReLU.
    src = edge_index[0]
    dst = edge_index[1]
    msgs = jnp.take(x, src, axis=0)                                   # gather [E, D]
    summed = jax.ops.segment_sum(msgs, dst, num_segments=x.shape[0])  # scatter-add [N, D]
    counts = jax.ops.segment_sum(jnp.ones((msgs.shape[0],), dtype=x.dtype), dst,
                                 num_segments=x.shape[0])
    mean_aggr = summed / jnp.maximum(counts, 1.0)[:, None]
    out = mean_aggr @ W_l.T + b_l + x @ W_r.T
    out = jax.nn.relu(out)  # norm is Identity, then F.relu
    return out

if __name__ == "__main__":
    import jax
    _d = setup_inputs()
    print(jax.jit(kernel)(*tuple(_d.values())))

</pallas_src>

<mosaic_0001>
#map = affine_map<(d0, d1) -> (0, 0)>
#map1 = affine_map<(d0, d1) -> (0, 0, 0)>
module attributes {stable_mosaic.version = 14 : i64} {
  func.func @agg(%arg0: i32, %arg1: i32, %arg2: memref<10000x128xbf16, #tpu.memory_space<hbm>>, %arg3: memref<32x80x128xi32, #tpu.memory_space<hbm>>, %arg4: memref<32x80x128xi32, #tpu.memory_space<hbm>>, %arg5: memref<640x128xbf16, #tpu.memory_space<hbm>>, %arg6: memref<2x10240x128xbf16, #tpu.memory_space<hbm>>, %arg7: memref<32x10240xf32, #tpu.memory_space<hbm>>, %arg8: memref<128xi32, #tpu.memory_space<vmem>>, %arg9: memref<128xi32, #tpu.memory_space<vmem>>, %arg10: memref<128xi32, #tpu.memory_space<vmem>>, %arg11: memref<128xi32, #tpu.memory_space<vmem>>, %arg12: memref<128xi32, #tpu.memory_space<vmem>>, %arg13: memref<128xi32, #tpu.memory_space<vmem>>, %arg14: memref<128xi32, #tpu.memory_space<vmem>>, %arg15: memref<128xi32, #tpu.memory_space<vmem>>, %arg16: memref<128x128xbf16, #tpu.memory_space<vmem>>, %arg17: memref<128x128xbf16, #tpu.memory_space<vmem>>, %arg18: memref<128x128xbf16, #tpu.memory_space<vmem>>, %arg19: memref<128x128xbf16, #tpu.memory_space<vmem>>, %arg20: memref<10240xf32, #tpu.memory_space<vmem>>, %arg21: memref<10240x128xbf16, #tpu.memory_space<vmem_shared>>, %arg22: memref<10000x128xbf16, #tpu.memory_space<vmem_shared>>, %arg23: memref<!tpu.dma_semaphore, #tpu.memory_space<semaphore_mem>>, %arg24: memref<!tpu.dma_semaphore, #tpu.memory_space<semaphore_mem>>, %arg25: memref<!tpu.dma_semaphore, #tpu.memory_space<semaphore_mem>>, %arg26: memref<!tpu.dma_semaphore, #tpu.memory_space<semaphore_mem>>) attributes {dimension_semantics = [#tpu.dimension_semantics<core_parallel>, #tpu.dimension_semantics<subcore_parallel>], iteration_bounds = array<i64: 2, 16>, scalar_prefetch = 0 : i64, scratch_operands = 19 : i64, tpu.core_type = #tpu.core_type<sc_vector_subcore>, window_params = [{transform_indices = #map}, {transform_indices = #map1}, {transform_indices = #map1}, {transform_indices = #map}, {transform_indices = #map1}, {transform_indices = #map}]} {
    %mul3A = arith.constant 16 : i32
    %mul3A_0 = arith.muli %arg0, %mul3A : i32
    %add3A = arith.addi %mul3A_0, %arg1 : i32
    %mul3A_1 = arith.constant 640 : i32
    %mul3A_2 = arith.muli %arg1, %mul3A_1 : i32
    "tpu.region"() ({
      %run_scoped3A_39 = tpu.sem_alloc : memref<!tpu.dma_semaphore, #tpu.memory_space<semaphore_mem>>
      %dma_start3A_40 = arith.constant 0 : i32
      %dma_start3A_41 = tpu.memref_slice %arg21[%mul3A_2, %dma_start3A_40] : memref<10240x128xbf16, #tpu.memory_space<vmem_shared>> -> memref<640x128xbf16, #tpu.memory_space<vmem_shared>>
      tpu.enqueue_dma source(%arg5 : memref<640x128xbf16, #tpu.memory_space<hbm>>) target(%dma_start3A_41 : memref<640x128xbf16, #tpu.memory_space<vmem_shared>>) target_semaphore(%run_scoped3A_39 : memref<!tpu.dma_semaphore, #tpu.memory_space<semaphore_mem>>)
      %dma_wait3A = arith.constant 0 : i32
      %dma_wait3A_42 = tpu.memref_slice %arg21[%mul3A_2, %dma_wait3A] : memref<10240x128xbf16, #tpu.memory_space<vmem_shared>> -> memref<640x128xbf16, #tpu.memory_space<vmem_shared>>
      tpu.wait_dma2 semaphore(%run_scoped3A_39 : memref<!tpu.dma_semaphore, #tpu.memory_space<semaphore_mem>>) src(%arg5 : memref<640x128xbf16, #tpu.memory_space<hbm>>) dst(%dma_wait3A_42 : memref<640x128xbf16, #tpu.memory_space<vmem_shared>>)
      tpu.yield
    }) : () -> ()
    %mul3A_3 = arith.constant 625 : i32
    %mul3A_4 = arith.muli %arg1, %mul3A_3 : i32
    %mul3A_5 = arith.constant 625 : i32
    %mul3A_6 = arith.muli %arg1, %mul3A_5 : i32
    "tpu.region"() ({
      %run_scoped3A_39 = tpu.sem_alloc : memref<!tpu.dma_semaphore, #tpu.memory_space<semaphore_mem>>
      %dma_start3A_40 = arith.constant 0 : i32
      %dma_start3A_41 = tpu.memref_slice %arg22[%mul3A_6, %dma_start3A_40] : memref<10000x128xbf16, #tpu.memory_space<vmem_shared>> -> memref<625x128xbf16, #tpu.memory_space<vmem_shared>>
      %dma_start3A_42 = arith.constant 0 : i32
      %dma_start3A_43 = tpu.memref_slice %arg2[%mul3A_4, %dma_start3A_42] : memref<10000x128xbf16, #tpu.memory_space<hbm>> -> memref<625x128xbf16, #tpu.memory_space<hbm>>
      tpu.enqueue_dma source(%dma_start3A_43 : memref<625x128xbf16, #tpu.memory_space<hbm>>) target(%dma_start3A_41 : memref<625x128xbf16, #tpu.memory_space<vmem_shared>>) target_semaphore(%run_scoped3A_39 : memref<!tpu.dma_semaphore, #tpu.memory_space<semaphore_mem>>)
      %dma_wait3A = arith.constant 0 : i32
      %dma_wait3A_44 = tpu.memref_slice %arg22[%mul3A_6, %dma_wait3A] : memref<10000x128xbf16, #tpu.memory_space<vmem_shared>> -> memref<625x128xbf16, #tpu.memory_space<vmem_shared>>
      %dma_wait3A_45 = arith.constant 0 : i32
      %dma_wait3A_46 = tpu.memref_slice %arg2[%mul3A_4, %dma_wait3A_45] : memref<10000x128xbf16, #tpu.memory_space<hbm>> -> memref<625x128xbf16, #tpu.memory_space<hbm>>
      tpu.wait_dma2 semaphore(%run_scoped3A_39 : memref<!tpu.dma_semaphore, #tpu.memory_space<semaphore_mem>>) src(%dma_wait3A_46 : memref<625x128xbf16, #tpu.memory_space<hbm>>) dst(%dma_wait3A_44 : memref<625x128xbf16, #tpu.memory_space<vmem_shared>>)
      tpu.yield
    }) : () -> ()
    %broadcast_in_dim3A = arith.constant 0.000000e+00 : f32
    %broadcast_in_dim3A_7 = vector.broadcast %broadcast_in_dim3A : f32 to vector<16xf32>
    %scan3A = arith.constant 0 : i32
    %scan3A_8 = arith.constant 0 : i32
    %scan3A_9 = arith.constant 640 : i32
    %scan3A_10 = arith.addi %scan3A_8, %scan3A_9 : i32
    %scan3A_11 = arith.constant 1 : i32
    scf.for %scan3A_39 = %scan3A_8 to %scan3A_10 step %scan3A_11  : i32 {
      %mul3A_40 = arith.constant 16 : i32
      %mul3A_41 = arith.muli %scan3A_39, %mul3A_40 : i32
      %swap3A = arith.index_cast %mul3A_41 : i32 to index
      %swap3A_42 = tpu.vector_load %arg20[%swap3A] {strides = array<i32>} : memref<10240xf32, #tpu.memory_space<vmem>>, vector<16xf32>,
      tpu.vector_store %arg20[%swap3A], %broadcast_in_dim3A_7 {strides = array<i32>} : memref<10240xf32, #tpu.memory_space<vmem>>, vector<16xf32>,
    }
    %scan3A_12 = arith.constant 640 : i32
    %barrier3A = arith.constant 0 : index
    tpu.barrier barrier_id(%barrier3A)
    %broadcast_in_dim3A_13 = arith.constant 1.000000e+00 : f32
    %broadcast_in_dim3A_14 = vector.broadcast %broadcast_in_dim3A_13 : f32 to vector<16xf32>
    %run_scoped3A = arith.constant 0 : i32
    "tpu.region"() ({
      %run_scoped3A_39 = tpu.sem_alloc : memref<!tpu.dma_semaphore, #tpu.memory_space<semaphore_mem>>
      %dma_start3A_40 = arith.constant 0 : i32
      %dma_start3A_41 = tpu.memref_slice %arg3[%add3A, %run_scoped3A, %dma_start3A_40] : memref<32x80x128xi32, #tpu.memory_space<hbm>> -> memref<1x1x128xi32, #tpu.memory_space<hbm>>
      %dma_start3A_42 = tpu.memref_squeeze %dma_start3A_41 : memref<1x1x128xi32, #tpu.memory_space<hbm>> -> memref<128xi32, #tpu.memory_space<hbm>>
      %dma_start3A_43 = arith.constant 0 : i32
      %dma_start3A_44 = tpu.memref_slice %arg3[%add3A, %run_scoped3A, %dma_start3A_43] : memref<32x80x128xi32, #tpu.memory_space<hbm>> -> memref<1x1x128xi32, #tpu.memory_space<hbm>>
      %dma_start3A_45 = tpu.memref_squeeze %dma_start3A_44 : memref<1x1x128xi32, #tpu.memory_space<hbm>> -> memref<128xi32, #tpu.memory_space<hbm>>
      tpu.enqueue_dma source(%dma_start3A_45 : memref<128xi32, #tpu.memory_space<hbm>>) target(%arg8 : memref<128xi32, #tpu.memory_space<vmem>>) target_semaphore(%run_scoped3A_39 : memref<!tpu.dma_semaphore, #tpu.memory_space<semaphore_mem>>)
      %dma_wait3A = arith.constant 0 : i32
      %dma_wait3A_46 = tpu.memref_slice %arg3[%add3A, %run_scoped3A, %dma_wait3A] : memref<32x80x128xi32, #tpu.memory_space<hbm>> -> memref<1x1x128xi32, #tpu.memory_space<hbm>>
      %dma_wait3A_47 = tpu.memref_squeeze %dma_wait3A_46 : memref<1x1x128xi32, #tpu.memory_space<hbm>> -> memref<128xi32, #tpu.memory_space<hbm>>
      %dma_wait3A_48 = arith.constant 0 : i32
      %dma_wait3A_49 = tpu.memref_slice %arg3[%add3A, %run_scoped3A, %dma_wait3A_48] : memref<32x80x128xi32, #tpu.memory_space<hbm>> -> memref<1x1x128xi32, #tpu.memory_space<hbm>>
      %dma_wait3A_50 = tpu.memref_squeeze %dma_wait3A_49 : memref<1x1x128xi32, #tpu.memory_space<hbm>> -> memref<128xi32, #tpu.memory_space<hbm>>
      tpu.wait_dma2 semaphore(%run_scoped3A_39 : memref<!tpu.dma_semaphore, #tpu.memory_space<semaphore_mem>>) src(%dma_wait3A_50 : memref<128xi32, #tpu.memory_space<hbm>>) dst(%arg8 : memref<128xi32, #tpu.memory_space<vmem>>)
      tpu.yield
    }) : () -> ()
    %run_scoped3A_15 = arith.constant 0 : i32
    "tpu.region"() ({
      %run_scoped3A_39 = tpu.sem_alloc : memref<!tpu.dma_semaphore, #tpu.memory_space<semaphore_mem>>
      %dma_start3A_40 = arith.constant 0 : i32
      %dma_start3A_41 = tpu.memref_slice %arg4[%add3A, %run_scoped3A_15, %dma_start3A_40] : memref<32x80x128xi32, #tpu.memory_space<hbm>> -> memref<1x1x128xi32, #tpu.memory_space<hbm>>
      %dma_start3A_42 = tpu.memref_squeeze %dma_start3A_41 : memref<1x1x128xi32, #tpu.memory_space<hbm>> -> memref<128xi32, #tpu.memory_space<hbm>>
      %dma_start3A_43 = arith.constant 0 : i32
      %dma_start3A_44 = tpu.memref_slice %arg4[%add3A, %run_scoped3A_15, %dma_start3A_43] : memref<32x80x128xi32, #tpu.memory_space<hbm>> -> memref<1x1x128xi32, #tpu.memory_space<hbm>>
      %dma_start3A_45 = tpu.memref_squeeze %dma_start3A_44 : memref<1x1x128xi32, #tpu.memory_space<hbm>> -> memref<128xi32, #tpu.memory_space<hbm>>
      tpu.enqueue_dma source(%dma_start3A_45 : memref<128xi32, #tpu.memory_space<hbm>>) target(%arg12 : memref<128xi32, #tpu.memory_space<vmem>>) target_semaphore(%run_scoped3A_39 : memref<!tpu.dma_semaphore, #tpu.memory_space<semaphore_mem>>)
      %dma_wait3A = arith.constant 0 : i32
      %dma_wait3A_46 = tpu.memref_slice %arg4[%add3A, %run_scoped3A_15, %dma_wait3A] : memref<32x80x128xi32, #tpu.memory_space<hbm>> -> memref<1x1x128xi32, #tpu.memory_space<hbm>>
      %dma_wait3A_47 = tpu.memref_squeeze %dma_wait3A_46 : memref<1x1x128xi32, #tpu.memory_space<hbm>> -> memref<128xi32, #tpu.memory_space<hbm>>
      %dma_wait3A_48 = arith.constant 0 : i32
      %dma_wait3A_49 = tpu.memref_slice %arg4[%add3A, %run_scoped3A_15, %dma_wait3A_48] : memref<32x80x128xi32, #tpu.memory_space<hbm>> -> memref<1x1x128xi32, #tpu.memory_space<hbm>>
      %dma_wait3A_50 = tpu.memref_squeeze %dma_wait3A_49 : memref<1x1x128xi32, #tpu.memory_space<hbm>> -> memref<128xi32, #tpu.memory_space<hbm>>
      tpu.wait_dma2 semaphore(%run_scoped3A_39 : memref<!tpu.dma_semaphore, #tpu.memory_space<semaphore_mem>>) src(%dma_wait3A_50 : memref<128xi32, #tpu.memory_space<hbm>>) dst(%arg12 : memref<128xi32, #tpu.memory_space<vmem>>)
      tpu.yield
    }) : () -> ()
    %dma_start3A = arith.constant 0 : i32
    %dma_start3A_16 = arith.constant 0 : i32
    %dma_start3A_17 = tpu.memref_slice %arg2[%dma_start3A, %dma_start3A_16] : memref<10000x128xbf16, #tpu.memory_space<hbm>> -> memref<10000x128xbf16, #tpu.memory_space<hbm>>
    tpu.enqueue_indirect_dma source(%dma_start3A_17 : memref<10000x128xbf16, #tpu.memory_space<hbm>>) target(%arg16 : memref<128x128xbf16, #tpu.memory_space<vmem>>) offsets(%arg8 : memref<128xi32, #tpu.memory_space<vmem>>) semaphore(%arg23 : memref<!tpu.dma_semaphore, #tpu.memory_space<semaphore_mem>>)
    %run_scoped3A_18 = arith.constant 1 : i32
    "tpu.region"() ({
      %run_scoped3A_39 = tpu.sem_alloc : memref<!tpu.dma_semaphore, #tpu.memory_space<semaphore_mem>>
      %dma_start3A_40 = arith.constant 0 : i32
      %dma_start3A_41 = tpu.memref_slice %arg3[%add3A, %run_scoped3A_18, %dma_start3A_40] : memref<32x80x128xi32, #tpu.memory_space<hbm>> -> memref<1x1x128xi32, #tpu.memory_space<hbm>>
      %dma_start3A_42 = tpu.memref_squeeze %dma_start3A_41 : memref<1x1x128xi32, #tpu.memory_space<hbm>> -> memref<128xi32, #tpu.memory_space<hbm>>
      %dma_start3A_43 = arith.constant 0 : i32
      %dma_start3A_44 = tpu.memref_slice %arg3[%add3A, %run_scoped3A_18, %dma_start3A_43] : memref<32x80x128xi32, #tpu.memory_space<hbm>> -> memref<1x1x128xi32, #tpu.memory_space<hbm>>
      %dma_start3A_45 = tpu.memref_squeeze %dma_start3A_44 : memref<1x1x128xi32, #tpu.memory_space<hbm>> -> memref<128xi32, #tpu.memory_space<hbm>>
      tpu.enqueue_dma source(%dma_start3A_45 : memref<128xi32, #tpu.memory_space<hbm>>) target(%arg9 : memref<128xi32, #tpu.memory_space<vmem>>) target_semaphore(%run_scoped3A_39 : memref<!tpu.dma_semaphore, #tpu.memory_space<semaphore_mem>>)
      %dma_wait3A = arith.constant 0 : i32
      %dma_wait3A_46 = tpu.memref_slice %arg3[%add3A, %run_scoped3A_18, %dma_wait3A] : memref<32x80x128xi32, #tpu.memory_space<hbm>> -> memref<1x1x128xi32, #tpu.memory_space<hbm>>
      %dma_wait3A_47 = tpu.memref_squeeze %dma_wait3A_46 : memref<1x1x128xi32, #tpu.memory_space<hbm>> -> memref<128xi32, #tpu.memory_space<hbm>>
      %dma_wait3A_48 = arith.constant 0 : i32
      %dma_wait3A_49 = tpu.memref_slice %arg3[%add3A, %run_scoped3A_18, %dma_wait3A_48] : memref<32x80x128xi32, #tpu.memory_space<hbm>> -> memref<1x1x128xi32, #tpu.memory_space<hbm>>
      %dma_wait3A_50 = tpu.memref_squeeze %dma_wait3A_49 : memref<1x1x128xi32, #tpu.memory_space<hbm>> -> memref<128xi32, #tpu.memory_space<hbm>>
      tpu.wait_dma2 semaphore(%run_scoped3A_39 : memref<!tpu.dma_semaphore, #tpu.memory_space<semaphore_mem>>) src(%dma_wait3A_50 : memref<128xi32, #tpu.memory_space<hbm>>) dst(%arg9 : memref<128xi32, #tpu.memory_space<vmem>>)
      tpu.yield
    }) : () -> ()
    %run_scoped3A_19 = arith.constant 1 : i32
    "tpu.region"() ({
      %run_scoped3A_39 = tpu.sem_alloc : memref<!tpu.dma_semaphore, #tpu.memory_space<semaphore_mem>>
      %dma_start3A_40 = arith.constant 0 : i32
      %dma_start3A_41 = tpu.memref_slice %arg4[%add3A, %run_scoped3A_19, %dma_start3A_40] : memref<32x80x128xi32, #tpu.memory_space<hbm>> -> memref<1x1x128xi32, #tpu.memory_space<hbm>>
      %dma_start3A_42 = tpu.memref_squeeze %dma_start3A_41 : memref<1x1x128xi32, #tpu.memory_space<hbm>> -> memref<128xi32, #tpu.memory_space<hbm>>
      %dma_start3A_43 = arith.constant 0 : i32
      %dma_start3A_44 = tpu.memref_slice %arg4[%add3A, %run_scoped3A_19, %dma_start3A_43] : memref<32x80x128xi32, #tpu.memory_space<hbm>> -> memref<1x1x128xi32, #tpu.memory_space<hbm>>
      %dma_start3A_45 = tpu.memref_squeeze %dma_start3A_44 : memref<1x1x128xi32, #tpu.memory_space<hbm>> -> memref<128xi32, #tpu.memory_space<hbm>>
      tpu.enqueue_dma source(%dma_start3A_45 : memref<128xi32, #tpu.memory_space<hbm>>) target(%arg13 : memref<128xi32, #tpu.memory_space<vmem>>) target_semaphore(%run_scoped3A_39 : memref<!tpu.dma_semaphore, #tpu.memory_space<semaphore_mem>>)
      %dma_wait3A = arith.constant 0 : i32
      %dma_wait3A_46 = tpu.memref_slice %arg4[%add3A, %run_scoped3A_19, %dma_wait3A] : memref<32x80x128xi32, #tpu.memory_space<hbm>> -> memref<1x1x128xi32, #tpu.memory_space<hbm>>
      %dma_wait3A_47 = tpu.memref_squeeze %dma_wait3A_46 : memref<1x1x128xi32, #tpu.memory_space<hbm>> -> memref<128xi32, #tpu.memory_space<hbm>>
      %dma_wait3A_48 = arith.constant 0 : i32
      %dma_wait3A_49 = tpu.memref_slice %arg4[%add3A, %run_scoped3A_19, %dma_wait3A_48] : memref<32x80x128xi32, #tpu.memory_space<hbm>> -> memref<1x1x128xi32, #tpu.memory_space<hbm>>
      %dma_wait3A_50 = tpu.memref_squeeze %dma_wait3A_49 : memref<1x1x128xi32, #tpu.memory_space<hbm>> -> memref<128xi32, #tpu.memory_space<hbm>>
      tpu.wait_dma2 semaphore(%run_scoped3A_39 : memref<!tpu.dma_semaphore, #tpu.memory_space<semaphore_mem>>) src(%dma_wait3A_50 : memref<128xi32, #tpu.memory_space<hbm>>) dst(%arg13 : memref<128xi32, #tpu.memory_space<vmem>>)
      tpu.yield
    }) : () -> ()
    %dma_start3A_20 = arith.constant 0 : i32
    %dma_start3A_21 = arith.constant 0 : i32
    %dma_start3A_22 = tpu.memref_slice %arg22[%dma_start3A_20, %dma_start3A_21] : memref<10000x128xbf16, #tpu.memory_space<vmem_shared>> -> memref<10000x128xbf16, #tpu.memory_space<vmem_shared>>
    tpu.enqueue_indirect_dma source(%dma_start3A_22 : memref<10000x128xbf16, #tpu.memory_space<vmem_shared>>) target(%arg17 : memref<128x128xbf16, #tpu.memory_space<vmem>>) offsets(%arg9 : memref<128xi32, #tpu.memory_space<vmem>>) semaphore(%arg24 : memref<!tpu.dma_semaphore, #tpu.memory_space<semaphore_mem>>)
    %run_scoped3A_23 = arith.constant 2 : i32
    "tpu.region"() ({
      %run_scoped3A_39 = tpu.sem_alloc : memref<!tpu.dma_semaphore, #tpu.memory_space<semaphore_mem>>
      %dma_start3A_40 = arith.constant 0 : i32
      %dma_start3A_41 = tpu.memref_slice %arg3[%add3A, %run_scoped3A_23, %dma_start3A_40] : memref<32x80x128xi32, #tpu.memory_space<hbm>> -> memref<1x1x128xi32, #tpu.memory_space<hbm>>
      %dma_start3A_42 = tpu.memref_squeeze %dma_start3A_41 : memref<1x1x128xi32, #tpu.memory_space<hbm>> -> memref<128xi32, #tpu.memory_space<hbm>>
      %dma_start3A_43 = arith.constant 0 : i32
      %dma_start3A_44 = tpu.memref_slice %arg3[%add3A, %run_scoped3A_23, %dma_start3A_43] : memref<32x80x128xi32, #tpu.memory_space<hbm>> -> memref<1x1x128xi32, #tpu.memory_space<hbm>>
      %dma_start3A_45 = tpu.memref_squeeze %dma_start3A_44 : memref<1x1x128xi32, #tpu.memory_space<hbm>> -> memref<128xi32, #tpu.memory_space<hbm>>
      tpu.enqueue_dma source(%dma_start3A_45 : memref<128xi32, #tpu.memory_space<hbm>>) target(%arg10 : memref<128xi32, #tpu.memory_space<vmem>>) target_semaphore(%run_scoped3A_39 : memref<!tpu.dma_semaphore, #tpu.memory_space<semaphore_mem>>)
      %dma_wait3A = arith.constant 0 : i32
      %dma_wait3A_46 = tpu.memref_slice %arg3[%add3A, %run_scoped3A_23, %dma_wait3A] : memref<32x80x128xi32, #tpu.memory_space<hbm>> -> memref<1x1x128xi32, #tpu.memory_space<hbm>>
      %dma_wait3A_47 = tpu.memref_squeeze %dma_wait3A_46 : memref<1x1x128xi32, #tpu.memory_space<hbm>> -> memref<128xi32, #tpu.memory_space<hbm>>
      %dma_wait3A_48 = arith.constant 0 : i32
      %dma_wait3A_49 = tpu.memref_slice %arg3[%add3A, %run_scoped3A_23, %dma_wait3A_48] : memref<32x80x128xi32, #tpu.memory_space<hbm>> -> memref<1x1x128xi32, #tpu.memory_space<hbm>>
      %dma_wait3A_50 = tpu.memref_squeeze %dma_wait3A_49 : memref<1x1x128xi32, #tpu.memory_space<hbm>> -> memref<128xi32, #tpu.memory_space<hbm>>
      tpu.wait_dma2 semaphore(%run_scoped3A_39 : memref<!tpu.dma_semaphore, #tpu.memory_space<semaphore_mem>>) src(%dma_wait3A_50 : memref<128xi32, #tpu.memory_space<hbm>>) dst(%arg10 : memref<128xi32, #tpu.memory_space<vmem>>)
      tpu.yield
    }) : () -> ()
    %run_scoped3A_24 = arith.constant 2 : i32
    "tpu.region"() ({
      %run_scoped3A_39 = tpu.sem_alloc : memref<!tpu.dma_semaphore, #tpu.memory_space<semaphore_mem>>
      %dma_start3A_40 = arith.constant 0 : i32
      %dma_start3A_41 = tpu.memref_slice %arg4[%add3A, %run_scoped3A_24, %dma_start3A_40] : memref<32x80x128xi32, #tpu.memory_space<hbm>> -> memref<1x1x128xi32, #tpu.memory_space<hbm>>
      %dma_start3A_42 = tpu.memref_squeeze %dma_start3A_41 : memref<1x1x128xi32, #tpu.memory_space<hbm>> -> memref<128xi32, #tpu.memory_space<hbm>>
      %dma_start3A_43 = arith.constant 0 : i32
      %dma_start3A_44 = tpu.memref_slice %arg4[%add3A, %run_scoped3A_24, %dma_start3A_43] : memref<32x80x128xi32, #tpu.memory_space<hbm>> -> memref<1x1x128xi32, #tpu.memory_space<hbm>>
      %dma_start3A_45 = tpu.memref_squeeze %dma_start3A_44 : memref<1x1x128xi32, #tpu.memory_space<hbm>> -> memref<128xi32, #tpu.memory_space<hbm>>
      tpu.enqueue_dma source(%dma_start3A_45 : memref<128xi32, #tpu.memory_space<hbm>>) target(%arg14 : memref<128xi32, #tpu.memory_space<vmem>>) target_semaphore(%run_scoped3A_39 : memref<!tpu.dma_semaphore, #tpu.memory_space<semaphore_mem>>)
      %dma_wait3A = arith.constant 0 : i32
      %dma_wait3A_46 = tpu.memref_slice %arg4[%add3A, %run_scoped3A_24, %dma_wait3A] : memref<32x80x128xi32, #tpu.memory_space<hbm>> -> memref<1x1x128xi32, #tpu.memory_space<hbm>>
      %dma_wait3A_47 = tpu.memref_squeeze %dma_wait3A_46 : memref<1x1x128xi32, #tpu.memory_space<hbm>> -> memref<128xi32, #tpu.memory_space<hbm>>
      %dma_wait3A_48 = arith.constant 0 : i32
      %dma_wait3A_49 = tpu.memref_slice %arg4[%add3A, %run_scoped3A_24, %dma_wait3A_48] : memref<32x80x128xi32, #tpu.memory_space<hbm>> -> memref<1x1x128xi32, #tpu.memory_space<hbm>>
      %dma_wait3A_50 = tpu.memref_squeeze %dma_wait3A_49 : memref<1x1x128xi32, #tpu.memory_space<hbm>> -> memref<128xi32, #tpu.memory_space<hbm>>
      tpu.wait_dma2 semaphore(%run_scoped3A_39 : memref<!tpu.dma_semaphore, #tpu.memory_space<semaphore_mem>>) src(%dma_wait3A_50 : memref<128xi32, #tpu.memory_space<hbm>>) dst(%arg14 : memref<128xi32, #tpu.memory_space<vmem>>)
      tpu.yield
    }) : () -> ()
    %dma_start3A_25 = arith.constant 0 : i32
    %dma_start3A_26 = arith.constant 0 : i32
    %dma_start3A_27 = tpu.memref_slice %arg2[%dma_start3A_25, %dma_start3A_26] : memref<10000x128xbf16, #tpu.memory_space<hbm>> -> memref<10000x128xbf16, #tpu.memory_space<hbm>>
    tpu.enqueue_indirect_dma source(%dma_start3A_27 : memref<10000x128xbf16, #tpu.memory_space<hbm>>) target(%arg18 : memref<128x128xbf16, #tpu.memory_space<vmem>>) offsets(%arg10 : memref<128xi32, #tpu.memory_space<vmem>>) semaphore(%arg25 : memref<!tpu.dma_semaphore, #tpu.memory_space<semaphore_mem>>)
    %scan3A_28 = arith.constant 0 : i32
    %scan3A_29 = arith.constant 0 : i32
    %scan3A_30 = arith.constant 20 : i32
    %scan3A_31 = arith.addi %scan3A_29, %scan3A_30 : i32
    %scan3A_32 = arith.constant 1 : i32
    scf.for %scan3A_39 = %scan3A_29 to %scan3A_31 step %scan3A_32  : i32 {
      %mul3A_40 = arith.constant 4 : i32
      %mul3A_41 = arith.muli %mul3A_40, %scan3A_39 : i32
      %add3A_42 = arith.constant 0 : i32
      %add3A_43 = arith.addi %mul3A_41, %add3A_42 : i32
      %dma_wait3A = arith.constant 0 : i32
      %dma_wait3A_44 = arith.constant 0 : i32
      %dma_wait3A_45 = tpu.memref_slice %arg2[%dma_wait3A, %dma_wait3A_44] : memref<10000x128xbf16, #tpu.memory_space<hbm>> -> memref<10000x128xbf16, #tpu.memory_space<hbm>>
      tpu.wait_indirect_dma semaphore(%arg23 : memref<!tpu.dma_semaphore, #tpu.memory_space<semaphore_mem>>) src(%dma_wait3A_45 : memref<10000x128xbf16, #tpu.memory_space<hbm>>) dst(%arg16 : memref<128x128xbf16, #tpu.memory_space<vmem>>)
      %add3A_46 = arith.constant 4 : i32
      %add3A_47 = arith.addi %add3A_43, %add3A_46 : i32
      %sub3A = arith.constant 1 : i32
      %sub3A_48 = arith.subi %add3A_47, %sub3A : i32
      %lt3A = arith.constant 80 : i32
      %lt3A_49 = arith.cmpi slt, %sub3A_48, %lt3A : i32
      %convert_element_type3A = arith.extui %lt3A_49 : i1 to i32
      %cond3A = arith.constant 0 : i32
      %cond3A_50 = arith.cmpi ne, %convert_element_type3A, %cond3A : i32
      scf.if %cond3A_50 {
        %add3A_162 = arith.constant 4 : i32
        %add3A_163 = arith.addi %add3A_43, %add3A_162 : i32
        %sub3A_164 = arith.constant 1 : i32
        %sub3A_165 = arith.subi %add3A_163, %sub3A_164 : i32
        "tpu.region"() ({
          %run_scoped3A_169 = tpu.sem_alloc : memref<!tpu.dma_semaphore, #tpu.memory_space<semaphore_mem>>
          %dma_start3A_170 = arith.constant 0 : i32
          %dma_start3A_171 = tpu.memref_slice %arg3[%add3A, %sub3A_165, %dma_start3A_170] : memref<32x80x128xi32, #tpu.memory_space<hbm>> -> memref<1x1x128xi32, #tpu.memory_space<hbm>>
          %dma_start3A_172 = tpu.memref_squeeze %dma_start3A_171 : memref<1x1x128xi32, #tpu.memory_space<hbm>> -> memref<128xi32, #tpu.memory_space<hbm>>
          %dma_start3A_173 = arith.constant 0 : i32
          %dma_start3A_174 = tpu.memref_slice %arg3[%add3A, %sub3A_165, %dma_start3A_173] : memref<32x80x128xi32, #tpu.memory_space<hbm>> -> memref<1x1x128xi32, #tpu.memory_space<hbm>>
          %dma_start3A_175 = tpu.memref_squeeze %dma_start3A_174 : memref<1x1x128xi32, #tpu.memory_space<hbm>> -> memref<128xi32, #tpu.memory_space<hbm>>
          tpu.enqueue_dma source(%dma_start3A_175 : memref<128xi32, #tpu.memory_space<hbm>>) target(%arg11 : memref<128xi32, #tpu.memory_space<vmem>>) target_semaphore(%run_scoped3A_169 : memref<!tpu.dma_semaphore, #tpu.memory_space<semaphore_mem>>)
          %dma_wait3A_176 = arith.constant 0 : i32
          %dma_wait3A_177 = tpu.memref_slice %arg3[%add3A, %sub3A_165, %dma_wait3A_176] : memref<32x80x128xi32, #tpu.memory_space<hbm>> -> memref<1x1x128xi32, #tpu.memory_space<hbm>>
          %dma_wait3A_178 = tpu.memref_squeeze %dma_wait3A_177 : memref<1x1x128xi32, #tpu.memory_space<hbm>> -> memref<128xi32, #tpu.memory_space<hbm>>
          %dma_wait3A_179 = arith.constant 0 : i32
          %dma_wait3A_180 = tpu.memref_slice %arg3[%add3A, %sub3A_165, %dma_wait3A_179] : memref<32x80x128xi32, #tpu.memory_space<hbm>> -> memref<1x1x128xi32, #tpu.memory_space<hbm>>
          %dma_wait3A_181 = tpu.memref_squeeze %dma_wait3A_180 : memref<1x1x128xi32, #tpu.memory_space<hbm>> -> memref<128xi32, #tpu.memory_space<hbm>>
          tpu.wait_dma2 semaphore(%run_scoped3A_169 : memref<!tpu.dma_semaphore, #tpu.memory_space<semaphore_mem>>) src(%dma_wait3A_181 : memref<128xi32, #tpu.memory_space<hbm>>) dst(%arg11 : memref<128xi32, #tpu.memory_space<vmem>>)
          tpu.yield
        }) : () -> ()
        "tpu.region"() ({
          %run_scoped3A_169 = tpu.sem_alloc : memref<!tpu.dma_semaphore, #tpu.memory_space<semaphore_mem>>
          %dma_start3A_170 = arith.constant 0 : i32
          %dma_start3A_171 = tpu.memref_slice %arg4[%add3A, %sub3A_165, %dma_start3A_170] : memref<32x80x128xi32, #tpu.memory_space<hbm>> -> memref<1x1x128xi32, #tpu.memory_space<hbm>>
          %dma_start3A_172 = tpu.memref_squeeze %dma_start3A_171 : memref<1x1x128xi32, #tpu.memory_space<hbm>> -> memref<128xi32, #tpu.memory_space<hbm>>
          %dma_start3A_173 = arith.constant 0 : i32
          %dma_start3A_174 = tpu.memref_slice %arg4[%add3A, %sub3A_165, %dma_start3A_173] : memref<32x80x128xi32, #tpu.memory_space<hbm>> -> memref<1x1x128xi32, #tpu.memory_space<hbm>>
          %dma_start3A_175 = tpu.memref_squeeze %dma_start3A_174 : memref<1x1x128xi32, #tpu.memory_space<hbm>> -> memref<128xi32, #tpu.memory_space<hbm>>
          tpu.enqueue_dma source(%dma_start3A_175 : memref<128xi32, #tpu.memory_space<hbm>>) target(%arg15 : memref<128xi32, #tpu.memory_space<vmem>>) target_semaphore(%run_scoped3A_169 : memref<!tpu.dma_semaphore, #tpu.memory_space<semaphore_mem>>)
          %dma_wait3A_176 = arith.constant 0 : i32
          %dma_wait3A_177 = tpu.memref_slice %arg4[%add3A, %sub3A_165, %dma_wait3A_176] : memref<32x80x128xi32, #tpu.memory_space<hbm>> -> memref<1x1x128xi32, #tpu.memory_space<hbm>>
          %dma_wait3A_178 = tpu.memref_squeeze %dma_wait3A_177 : memref<1x1x128xi32, #tpu.memory_space<hbm>> -> memref<128xi32, #tpu.memory_space<hbm>>
          %dma_wait3A_179 = arith.constant 0 : i32
          %dma_wait3A_180 = tpu.memref_slice %arg4[%add3A, %sub3A_165, %dma_wait3A_179] : memref<32x80x128xi32, #tpu.memory_space<hbm>> -> memref<1x1x128xi32, #tpu.memory_space<hbm>>
          %dma_wait3A_181 = tpu.memref_squeeze %dma_wait3A_180 : memref<1x1x128xi32, #tpu.memory_space<hbm>> -> memref<128xi32, #tpu.memory_space<hbm>>
          tpu.wait_dma2 semaphore(%run_scoped3A_169 : memref<!tpu.dma_semaphore, #tpu.memory_space<semaphore_mem>>) src(%dma_wait3A_181 : memref<128xi32, #tpu.memory_space<hbm>>) dst(%arg15 : memref<128xi32, #tpu.memory_space<vmem>>)
          tpu.yield
        }) : () -> ()
        %dma_start3A_166 = arith.constant 0 : i32
        %dma_start3A_167 = arith.constant 0 : i32
        %dma_start3A_168 = tpu.memref_slice %arg22[%dma_start3A_166, %dma_start3A_167] : memref<10000x128xbf16, #tpu.memory_space<vmem_shared>> -> memref<10000x128xbf16, #tpu.memory_space<vmem_shared>>
        tpu.enqueue_indirect_dma source(%dma_start3A_168 : memref<10000x128xbf16, #tpu.memory_space<vmem_shared>>) target(%arg19 : memref<128x128xbf16, #tpu.memory_space<vmem>>) offsets(%arg11 : memref<128xi32, #tpu.memory_space<vmem>>) semaphore(%arg26 : memref<!tpu.dma_semaphore, #tpu.memory_space<semaphore_mem>>)
      } else {
      }
      "tpu.region"() ({
        %run_scoped3A_162 = tpu.sem_alloc : memref<!tpu.dma_semaphore, #tpu.memory_space<semaphore_mem>>
        %dma_start3A_163 = arith.constant 0 : i32
        %dma_start3A_164 = arith.constant 0 : i32
        %dma_start3A_165 = tpu.memref_slice %arg21[%dma_start3A_163, %dma_start3A_164] : memref<10240x128xbf16, #tpu.memory_space<vmem_shared>> -> memref<10240x128xbf16, #tpu.memory_space<vmem_shared>>
        tpu.enqueue_indirect_dma source(%arg16 : memref<128x128xbf16, #tpu.memory_space<vmem>>) target(%dma_start3A_165 : memref<10240x128xbf16, #tpu.memory_space<vmem_shared>>) offsets(%arg12 : memref<128xi32, #tpu.memory_space<vmem>>) semaphore(%run_scoped3A_162 : memref<!tpu.dma_semaphore, #tpu.memory_space<semaphore_mem>>) {add = true}
        %dma_wait3A_166 = arith.constant 0 : i32
        %dma_wait3A_167 = arith.constant 0 : i32
        %dma_wait3A_168 = tpu.memref_slice %arg21[%dma_wait3A_166, %dma_wait3A_167] : memref<10240x128xbf16, #tpu.memory_space<vmem_shared>> -> memref<10240x128xbf16, #tpu.memory_space<vmem_shared>>
        tpu.wait_indirect_dma semaphore(%run_scoped3A_162 : memref<!tpu.dma_semaphore, #tpu.memory_space<semaphore_mem>>) src(%arg16 : memref<128x128xbf16, #tpu.memory_space<vmem>>) dst(%dma_wait3A_168 : memref<10240x128xbf16, #tpu.memory_space<vmem_shared>>)
        tpu.yield
      }) : () -> ()
      %get3A = arith.constant 0 : index
      %get3A_51 = tpu.vector_load %arg12[%get3A] {strides = array<i32>} : memref<128xi32, #tpu.memory_space<vmem>>, vector<16xi32>,
      tpu.vector_store_idx %arg20[%get3A_51], %broadcast_in_dim3A_14 {add = true} : memref<10240xf32, #tpu.memory_space<vmem>>[vector<16xi32>], vector<16xf32>,
      %get3A_52 = arith.constant 16 : index
      %get3A_53 = tpu.vector_load %arg12[%get3A_52] {strides = array<i32>} : memref<128xi32, #tpu.memory_space<vmem>>, vector<16xi32>,
      tpu.vector_store_idx %arg20[%get3A_53], %broadcast_in_dim3A_14 {add = true} : memref<10240xf32, #tpu.memory_space<vmem>>[vector<16xi32>], vector<16xf32>,
      %get3A_54 = arith.constant 32 : index
      %get3A_55 = tpu.vector_load %arg12[%get3A_54] {strides = array<i32>} : memref<128xi32, #tpu.memory_space<vmem>>, vector<16xi32>,
      tpu.vector_store_idx %arg20[%get3A_55], %broadcast_in_dim3A_14 {add = true} : memref<10240xf32, #tpu.memory_space<vmem>>[vector<16xi32>], vector<16xf32>,
      %get3A_56 = arith.constant 48 : index
      %get3A_57 = tpu.vector_load %arg12[%get3A_56] {strides = array<i32>} : memref<128xi32, #tpu.memory_space<vmem>>, vector<16xi32>,
      tpu.vector_store_idx %arg20[%get3A_57], %broadcast_in_dim3A_14 {add = true} : memref<10240xf32, #tpu.memory_space<vmem>>[vector<16xi32>], vector<16xf32>,
      %get3A_58 = arith.constant 64 : index
      %get3A_59 = tpu.vector_load %arg12[%get3A_58] {strides = array<i32>} : memref<128xi32, #tpu.memory_space<vmem>>, vector<16xi32>,
      tpu.vector_store_idx %arg20[%get3A_59], %broadcast_in_dim3A_14 {add = true} : memref<10240xf32, #tpu.memory_space<vmem>>[vector<16xi32>], vector<16xf32>,
      %get3A_60 = arith.constant 80 : index
      %get3A_61 = tpu.vector_load %arg12[%get3A_60] {strides = array<i32>} : memref<128xi32, #tpu.memory_space<vmem>>, vector<16xi32>,
      tpu.vector_store_idx %arg20[%get3A_61], %broadcast_in_dim3A_14 {add = true} : memref<10240xf32, #tpu.memory_space<vmem>>[vector<16xi32>], vector<16xf32>,
      %get3A_62 = arith.constant 96 : index
      %get3A_63 = tpu.vector_load %arg12[%get3A_62] {strides = array<i32>} : memref<128xi32, #tpu.memory_space<vmem>>, vector<16xi32>,
      tpu.vector_store_idx %arg20[%get3A_63], %broadcast_in_dim3A_14 {add = true} : memref<10240xf32, #tpu.memory_space<vmem>>[vector<16xi32>], vector<16xf32>,
      %get3A_64 = arith.constant 112 : index
      %get3A_65 = tpu.vector_load %arg12[%get3A_64] {strides = array<i32>} : memref<128xi32, #tpu.memory_space<vmem>>, vector<16xi32>,
      tpu.vector_store_idx %arg20[%get3A_65], %broadcast_in_dim3A_14 {add = true} : memref<10240xf32, #tpu.memory_space<vmem>>[vector<16xi32>], vector<16xf32>,
      %mul3A_66 = arith.constant 4 : i32
      %mul3A_67 = arith.muli %mul3A_66, %scan3A_39 : i32
      %add3A_68 = arith.constant 1 : i32
      %add3A_69 = arith.addi %mul3A_67, %add3A_68 : i32
      %dma_wait3A_70 = arith.constant 0 : i32
      %dma_wait3A_71 = arith.constant 0 : i32
      %dma_wait3A_72 = tpu.memref_slice %arg22[%dma_wait3A_70, %dma_wait3A_71] : memref<10000x128xbf16, #tpu.memory_space<vmem_shared>> -> memref<10000x128xbf16, #tpu.memory_space<vmem_shared>>
      tpu.wait_indirect_dma semaphore(%arg24 : memref<!tpu.dma_semaphore, #tpu.memory_space<semaphore_mem>>) src(%dma_wait3A_72 : memref<10000x128xbf16, #tpu.memory_space<vmem_shared>>) dst(%arg17 : memref<128x128xbf16, #tpu.memory_space<vmem>>)
      %add3A_73 = arith.constant 4 : i32
      %add3A_74 = arith.addi %add3A_69, %add3A_73 : i32
      %sub3A_75 = arith.constant 1 : i32
      %sub3A_76 = arith.subi %add3A_74, %sub3A_75 : i32
      %lt3A_77 = arith.constant 80 : i32
      %lt3A_78 = arith.cmpi slt, %sub3A_76, %lt3A_77 : i32
      %convert_element_type3A_79 = arith.extui %lt3A_78 : i1 to i32
      %cond3A_80 = arith.constant 0 : i32
      %cond3A_81 = arith.cmpi ne, %convert_element_type3A_79, %cond3A_80 : i32
      scf.if %cond3A_81 {
        %add3A_162 = arith.constant 4 : i32
        %add3A_163 = arith.addi %add3A_69, %add3A_162 : i32
        %sub3A_164 = arith.constant 1 : i32
        %sub3A_165 = arith.subi %add3A_163, %sub3A_164 : i32
        "tpu.region"() ({
          %run_scoped3A_169 = tpu.sem_alloc : memref<!tpu.dma_semaphore, #tpu.memory_space<semaphore_mem>>
          %dma_start3A_170 = arith.constant 0 : i32
          %dma_start3A_171 = tpu.memref_slice %arg3[%add3A, %sub3A_165, %dma_start3A_170] : memref<32x80x128xi32, #tpu.memory_space<hbm>> -> memref<1x1x128xi32, #tpu.memory_space<hbm>>
          %dma_start3A_172 = tpu.memref_squeeze %dma_start3A_171 : memref<1x1x128xi32, #tpu.memory_space<hbm>> -> memref<128xi32, #tpu.memory_space<hbm>>
          %dma_start3A_173 = arith.constant 0 : i32
          %dma_start3A_174 = tpu.memref_slice %arg3[%add3A, %sub3A_165, %dma_start3A_173] : memref<32x80x128xi32, #tpu.memory_space<hbm>> -> memref<1x1x128xi32, #tpu.memory_space<hbm>>
          %dma_start3A_175 = tpu.memref_squeeze %dma_start3A_174 : memref<1x1x128xi32, #tpu.memory_space<hbm>> -> memref<128xi32, #tpu.memory_space<hbm>>
          tpu.enqueue_dma source(%dma_start3A_175 : memref<128xi32, #tpu.memory_space<hbm>>) target(%arg8 : memref<128xi32, #tpu.memory_space<vmem>>) target_semaphore(%run_scoped3A_169 : memref<!tpu.dma_semaphore, #tpu.memory_space<semaphore_mem>>)
          %dma_wait3A_176 = arith.constant 0 : i32
          %dma_wait3A_177 = tpu.memref_slice %arg3[%add3A, %sub3A_165, %dma_wait3A_176] : memref<32x80x128xi32, #tpu.memory_space<hbm>> -> memref<1x1x128xi32, #tpu.memory_space<hbm>>
          %dma_wait3A_178 = tpu.memref_squeeze %dma_wait3A_177 : memref<1x1x128xi32, #tpu.memory_space<hbm>> -> memref<128xi32, #tpu.memory_space<hbm>>
          %dma_wait3A_179 = arith.constant 0 : i32
          %dma_wait3A_180 = tpu.memref_slice %arg3[%add3A, %sub3A_165, %dma_wait3A_179] : memref<32x80x128xi32, #tpu.memory_space<hbm>> -> memref<1x1x128xi32, #tpu.memory_space<hbm>>
          %dma_wait3A_181 = tpu.memref_squeeze %dma_wait3A_180 : memref<1x1x128xi32, #tpu.memory_space<hbm>> -> memref<128xi32, #tpu.memory_space<hbm>>
          tpu.wait_dma2 semaphore(%run_scoped3A_169 : memref<!tpu.dma_semaphore, #tpu.memory_space<semaphore_mem>>) src(%dma_wait3A_181 : memref<128xi32, #tpu.memory_space<hbm>>) dst(%arg8 : memref<128xi32, #tpu.memory_space<vmem>>)
          tpu.yield
        }) : () -> ()
        "tpu.region"() ({
          %run_scoped3A_169 = tpu.sem_alloc : memref<!tpu.dma_semaphore, #tpu.memory_space<semaphore_mem>>
          %dma_start3A_170 = arith.constant 0 : i32
          %dma_start3A_171 = tpu.memref_slice %arg4[%add3A, %sub3A_165, %dma_start3A_170] : memref<32x80x128xi32, #tpu.memory_space<hbm>> -> memref<1x1x128xi32, #tpu.memory_space<hbm>>
          %dma_start3A_172 = tpu.memref_squeeze %dma_start3A_171 : memref<1x1x128xi32, #tpu.memory_space<hbm>> -> memref<128xi32, #tpu.memory_space<hbm>>
          %dma_start3A_173 = arith.constant 0 : i32
          %dma_start3A_174 = tpu.memref_slice %arg4[%add3A, %sub3A_165, %dma_start3A_173] : memref<32x80x128xi32, #tpu.memory_space<hbm>> -> memref<1x1x128xi32, #tpu.memory_space<hbm>>
          %dma_start3A_175 = tpu.memref_squeeze %dma_start3A_174 : memref<1x1x128xi32, #tpu.memory_space<hbm>> -> memref<128xi32, #tpu.memory_space<hbm>>
          tpu.enqueue_dma source(%dma_start3A_175 : memref<128xi32, #tpu.memory_space<hbm>>) target(%arg12 : memref<128xi32, #tpu.memory_space<vmem>>) target_semaphore(%run_scoped3A_169 : memref<!tpu.dma_semaphore, #tpu.memory_space<semaphore_mem>>)
          %dma_wait3A_176 = arith.constant 0 : i32
          %dma_wait3A_177 = tpu.memref_slice %arg4[%add3A, %sub3A_165, %dma_wait3A_176] : memref<32x80x128xi32, #tpu.memory_space<hbm>> -> memref<1x1x128xi32, #tpu.memory_space<hbm>>
          %dma_wait3A_178 = tpu.memref_squeeze %dma_wait3A_177 : memref<1x1x128xi32, #tpu.memory_space<hbm>> -> memref<128xi32, #tpu.memory_space<hbm>>
          %dma_wait3A_179 = arith.constant 0 : i32
          %dma_wait3A_180 = tpu.memref_slice %arg4[%add3A, %sub3A_165, %dma_wait3A_179] : memref<32x80x128xi32, #tpu.memory_space<hbm>> -> memref<1x1x128xi32, #tpu.memory_space<hbm>>
          %dma_wait3A_181 = tpu.memref_squeeze %dma_wait3A_180 : memref<1x1x128xi32, #tpu.memory_space<hbm>> -> memref<128xi32, #tpu.memory_space<hbm>>
          tpu.wait_dma2 semaphore(%run_scoped3A_169 : memref<!tpu.dma_semaphore, #tpu.memory_space<semaphore_mem>>) src(%dma_wait3A_181 : memref<128xi32, #tpu.memory_space<hbm>>) dst(%arg12 : memref<128xi32, #tpu.memory_space<vmem>>)
          tpu.yield
        }) : () -> ()
        %dma_start3A_166 = arith.constant 0 : i32
        %dma_start3A_167 = arith.constant 0 : i32
        %dma_start3A_168 = tpu.memref_slice %arg2[%dma_start3A_166, %dma_start3A_167] : memref<10000x128xbf16, #tpu.memory_space<hbm>> -> memref<10000x128xbf16, #tpu.memory_space<hbm>>
        tpu.enqueue_indirect_dma source(%dma_start3A_168 : memref<10000x128xbf16, #tpu.memory_space<hbm>>) target(%arg16 : memref<128x128xbf16, #tpu.memory_space<vmem>>) offsets(%arg8 : memref<128xi32, #tpu.memory_space<vmem>>) semaphore(%arg23 : memref<!tpu.dma_semaphore, #tpu.memory_space<semaphore_mem>>)
      } else {
      }
      "tpu.region"() ({
        %run_scoped3A_162 = tpu.sem_alloc : memref<!tpu.dma_semaphore, #tpu.memory_space<semaphore_mem>>
        %dma_start3A_163 = arith.constant 0 : i32
        %dma_start3A_164 = arith.constant 0 : i32
        %dma_start3A_165 = tpu.memref_slice %arg21[%dma_start3A_163, %dma_start3A_164] : memref<10240x128xbf16, #tpu.memory_space<vmem_shared>> -> memref<10240x128xbf16, #tpu.memory_space<vmem_shared>>
        tpu.enqueue_indirect_dma source(%arg17 : memref<128x128xbf16, #tpu.memory_space<vmem>>) target(%dma_start3A_165 : memref<10240x128xbf16, #tpu.memory_space<vmem_shared>>) offsets(%arg13 : memref<128xi32, #tpu.memory_space<vmem>>) semaphore(%run_scoped3A_162 : memref<!tpu.dma_semaphore, #tpu.memory_space<semaphore_mem>>) {add = true}
        %dma_wait3A_166 = arith.constant 0 : i32
        %dma_wait3A_167 = arith.constant 0 : i32
        %dma_wait3A_168 = tpu.memref_slice %arg21[%dma_wait3A_166, %dma_wait3A_167] : memref<10240x128xbf16, #tpu.memory_space<vmem_shared>> -> memref<10240x128xbf16, #tpu.memory_space<vmem_shared>>
        tpu.wait_indirect_dma semaphore(%run_scoped3A_162 : memref<!tpu.dma_semaphore, #tpu.memory_space<semaphore_mem>>) src(%arg17 : memref<128x128xbf16, #tpu.memory_space<vmem>>) dst(%dma_wait3A_168 : memref<10240x128xbf16, #tpu.memory_space<vmem_shared>>)
        tpu.yield
      }) : () -> ()
      %get3A_82 = arith.constant 0 : index
      %get3A_83 = tpu.vector_load %arg13[%get3A_82] {strides = array<i32>} : memref<128xi32, #tpu.memory_space<vmem>>, vector<16xi32>,
      tpu.vector_store_idx %arg20[%get3A_83], %broadcast_in_dim3A_14 {add = true} : memref<10240xf32, #tpu.memory_space<vmem>>[vector<16xi32>], vector<16xf32>,
      %get3A_84 = arith.constant 16 : index
      %get3A_85 = tpu.vector_load %arg13[%get3A_84] {strides = array<i32>} : memref<128xi32, #tpu.memory_space<vmem>>, vector<16xi32>,
      tpu.vector_store_idx %arg20[%get3A_85], %broadcast_in_dim3A_14 {add = true} : memref<10240xf32, #tpu.memory_space<vmem>>[vector<16xi32>], vector<16xf32>,
      %get3A_86 = arith.constant 32 : index
      %get3A_87 = tpu.vector_load %arg13[%get3A_86] {strides = array<i32>} : memref<128xi32, #tpu.memory_space<vmem>>, vector<16xi32>,
      tpu.vector_store_idx %arg20[%get3A_87], %broadcast_in_dim3A_14 {add = true} : memref<10240xf32, #tpu.memory_space<vmem>>[vector<16xi32>], vector<16xf32>,
      %get3A_88 = arith.constant 48 : index
      %get3A_89 = tpu.vector_load %arg13[%get3A_88] {strides = array<i32>} : memref<128xi32, #tpu.memory_space<vmem>>, vector<16xi32>,
      tpu.vector_store_idx %arg20[%get3A_89], %broadcast_in_dim3A_14 {add = true} : memref<10240xf32, #tpu.memory_space<vmem>>[vector<16xi32>], vector<16xf32>,
      %get3A_90 = arith.constant 64 : index
      %get3A_91 = tpu.vector_load %arg13[%get3A_90] {strides = array<i32>} : memref<128xi32, #tpu.memory_space<vmem>>, vector<16xi32>,
      tpu.vector_store_idx %arg20[%get3A_91], %broadcast_in_dim3A_14 {add = true} : memref<10240xf32, #tpu.memory_space<vmem>>[vector<16xi32>], vector<16xf32>,
      %get3A_92 = arith.constant 80 : index
      %get3A_93 = tpu.vector_load %arg13[%get3A_92] {strides = array<i32>} : memref<128xi32, #tpu.memory_space<vmem>>, vector<16xi32>,
      tpu.vector_store_idx %arg20[%get3A_93], %broadcast_in_dim3A_14 {add = true} : memref<10240xf32, #tpu.memory_space<vmem>>[vector<16xi32>], vector<16xf32>,
      %get3A_94 = arith.constant 96 : index
      %get3A_95 = tpu.vector_load %arg13[%get3A_94] {strides = array<i32>} : memref<128xi32, #tpu.memory_space<vmem>>, vector<16xi32>,
      tpu.vector_store_idx %arg20[%get3A_95], %broadcast_in_dim3A_14 {add = true} : memref<10240xf32, #tpu.memory_space<vmem>>[vector<16xi32>], vector<16xf32>,
      %get3A_96 = arith.constant 112 : index
      %get3A_97 = tpu.vector_load %arg13[%get3A_96] {strides = array<i32>} : memref<128xi32, #tpu.memory_space<vmem>>, vector<16xi32>,
      tpu.vector_store_idx %arg20[%get3A_97], %broadcast_in_dim3A_14 {add = true} : memref<10240xf32, #tpu.memory_space<vmem>>[vector<16xi32>], vector<16xf32>,
      %mul3A_98 = arith.constant 4 : i32
      %mul3A_99 = arith.muli %mul3A_98, %scan3A_39 : i32
      %add3A_100 = arith.constant 2 : i32
      %add3A_101 = arith.addi %mul3A_99, %add3A_100 : i32
      %dma_wait3A_102 = arith.constant 0 : i32
      %dma_wait3A_103 = arith.constant 0 : i32
      %dma_wait3A_104 = tpu.memref_slice %arg2[%dma_wait3A_102, %dma_wait3A_103] : memref<10000x128xbf16, #tpu.memory_space<hbm>> -> memref<10000x128xbf16, #tpu.memory_space<hbm>>
      tpu.wait_indirect_dma semaphore(%arg25 : memref<!tpu.dma_semaphore, #tpu.memory_space<semaphore_mem>>) src(%dma_wait3A_104 : memref<10000x128xbf16, #tpu.memory_space<hbm>>) dst(%arg18 : memref<128x128xbf16, #tpu.memory_space<vmem>>)
      %add3A_105 = arith.constant 4 : i32
      %add3A_106 = arith.addi %add3A_101, %add3A_105 : i32
      %sub3A_107 = arith.constant 1 : i32
      %sub3A_108 = arith.subi %add3A_106, %sub3A_107 : i32
      %lt3A_109 = arith.constant 80 : i32
      %lt3A_110 = arith.cmpi slt, %sub3A_108, %lt3A_109 : i32
      %convert_element_type3A_111 = arith.extui %lt3A_110 : i1 to i32
      %cond3A_112 = arith.constant 0 : i32
      %cond3A_113 = arith.cmpi ne, %convert_element_type3A_111, %cond3A_112 : i32
      scf.if %cond3A_113 {
        %add3A_162 = arith.constant 4 : i32
        %add3A_163 = arith.addi %add3A_101, %add3A_162 : i32
        %sub3A_164 = arith.constant 1 : i32
        %sub3A_165 = arith.subi %add3A_163, %sub3A_164 : i32
        "tpu.region"() ({
          %run_scoped3A_169 = tpu.sem_alloc : memref<!tpu.dma_semaphore, #tpu.memory_space<semaphore_mem>>
          %dma_start3A_170 = arith.constant 0 : i32
          %dma_start3A_171 = tpu.memref_slice %arg3[%add3A, %sub3A_165, %dma_start3A_170] : memref<32x80x128xi32, #tpu.memory_space<hbm>> -> memref<1x1x128xi32, #tpu.memory_space<hbm>>
          %dma_start3A_172 = tpu.memref_squeeze %dma_start3A_171 : memref<1x1x128xi32, #tpu.memory_space<hbm>> -> memref<128xi32, #tpu.memory_space<hbm>>
          %dma_start3A_173 = arith.constant 0 : i32
          %dma_start3A_174 = tpu.memref_slice %arg3[%add3A, %sub3A_165, %dma_start3A_173] : memref<32x80x128xi32, #tpu.memory_space<hbm>> -> memref<1x1x128xi32, #tpu.memory_space<hbm>>
          %dma_start3A_175 = tpu.memref_squeeze %dma_start3A_174 : memref<1x1x128xi32, #tpu.memory_space<hbm>> -> memref<128xi32, #tpu.memory_space<hbm>>
          tpu.enqueue_dma source(%dma_start3A_175 : memref<128xi32, #tpu.memory_space<hbm>>) target(%arg9 : memref<128xi32, #tpu.memory_space<vmem>>) target_semaphore(%run_scoped3A_169 : memref<!tpu.dma_semaphore, #tpu.memory_space<semaphore_mem>>)
          %dma_wait3A_176 = arith.constant 0 : i32
          %dma_wait3A_177 = tpu.memref_slice %arg3[%add3A, %sub3A_165, %dma_wait3A_176] : memref<32x80x128xi32, #tpu.memory_space<hbm>> -> memref<1x1x128xi32, #tpu.memory_space<hbm>>
          %dma_wait3A_178 = tpu.memref_squeeze %dma_wait3A_177 : memref<1x1x128xi32, #tpu.memory_space<hbm>> -> memref<128xi32, #tpu.memory_space<hbm>>
          %dma_wait3A_179 = arith.constant 0 : i32
          %dma_wait3A_180 = tpu.memref_slice %arg3[%add3A, %sub3A_165, %dma_wait3A_179] : memref<32x80x128xi32, #tpu.memory_space<hbm>> -> memref<1x1x128xi32, #tpu.memory_space<hbm>>
          %dma_wait3A_181 = tpu.memref_squeeze %dma_wait3A_180 : memref<1x1x128xi32, #tpu.memory_space<hbm>> -> memref<128xi32, #tpu.memory_space<hbm>>
          tpu.wait_dma2 semaphore(%run_scoped3A_169 : memref<!tpu.dma_semaphore, #tpu.memory_space<semaphore_mem>>) src(%dma_wait3A_181 : memref<128xi32, #tpu.memory_space<hbm>>) dst(%arg9 : memref<128xi32, #tpu.memory_space<vmem>>)
          tpu.yield
        }) : () -> ()
        "tpu.region"() ({
          %run_scoped3A_169 = tpu.sem_alloc : memref<!tpu.dma_semaphore, #tpu.memory_space<semaphore_mem>>
          %dma_start3A_170 = arith.constant 0 : i32
          %dma_start3A_171 = tpu.memref_slice %arg4[%add3A, %sub3A_165, %dma_start3A_170] : memref<32x80x128xi32, #tpu.memory_space<hbm>> -> memref<1x1x128xi32, #tpu.memory_space<hbm>>
          %dma_start3A_172 = tpu.memref_squeeze %dma_start3A_171 : memref<1x1x128xi32, #tpu.memory_space<hbm>> -> memref<128xi32, #tpu.memory_space<hbm>>
          %dma_start3A_173 = arith.constant 0 : i32
          %dma_start3A_174 = tpu.memref_slice %arg4[%add3A, %sub3A_165, %dma_start3A_173] : memref<32x80x128xi32, #tpu.memory_space<hbm>> -> memref<1x1x128xi32, #tpu.memory_space<hbm>>
          %dma_start3A_175 = tpu.memref_squeeze %dma_start3A_174 : memref<1x1x128xi32, #tpu.memory_space<hbm>> -> memref<128xi32, #tpu.memory_space<hbm>>
          tpu.enqueue_dma source(%dma_start3A_175 : memref<128xi32, #tpu.memory_space<hbm>>) target(%arg13 : memref<128xi32, #tpu.memory_space<vmem>>) target_semaphore(%run_scoped3A_169 : memref<!tpu.dma_semaphore, #tpu.memory_space<semaphore_mem>>)
          %dma_wait3A_176 = arith.constant 0 : i32
          %dma_wait3A_177 = tpu.memref_slice %arg4[%add3A, %sub3A_165, %dma_wait3A_176] : memref<32x80x128xi32, #tpu.memory_space<hbm>> -> memref<1x1x128xi32, #tpu.memory_space<hbm>>
          %dma_wait3A_178 = tpu.memref_squeeze %dma_wait3A_177 : memref<1x1x128xi32, #tpu.memory_space<hbm>> -> memref<128xi32, #tpu.memory_space<hbm>>
          %dma_wait3A_179 = arith.constant 0 : i32
          %dma_wait3A_180 = tpu.memref_slice %arg4[%add3A, %sub3A_165, %dma_wait3A_179] : memref<32x80x128xi32, #tpu.memory_space<hbm>> -> memref<1x1x128xi32, #tpu.memory_space<hbm>>
          %dma_wait3A_181 = tpu.memref_squeeze %dma_wait3A_180 : memref<1x1x128xi32, #tpu.memory_space<hbm>> -> memref<128xi32, #tpu.memory_space<hbm>>
          tpu.wait_dma2 semaphore(%run_scoped3A_169 : memref<!tpu.dma_semaphore, #tpu.memory_space<semaphore_mem>>) src(%dma_wait3A_181 : memref<128xi32, #tpu.memory_space<hbm>>) dst(%arg13 : memref<128xi32, #tpu.memory_space<vmem>>)
          tpu.yield
        }) : () -> ()
        %dma_start3A_166 = arith.constant 0 : i32
        %dma_start3A_167 = arith.constant 0 : i32
        %dma_start3A_168 = tpu.memref_slice %arg22[%dma_start3A_166, %dma_start3A_167] : memref<10000x128xbf16, #tpu.memory_space<vmem_shared>> -> memref<10000x128xbf16, #tpu.memory_space<vmem_shared>>
        tpu.enqueue_indirect_dma source(%dma_start3A_168 : memref<10000x128xbf16, #tpu.memory_space<vmem_shared>>) target(%arg17 : memref<128x128xbf16, #tpu.memory_space<vmem>>) offsets(%arg9 : memref<128xi32, #tpu.memory_space<vmem>>) semaphore(%arg24 : memref<!tpu.dma_semaphore, #tpu.memory_space<semaphore_mem>>)
      } else {
      }
      "tpu.region"() ({
        %run_scoped3A_162 = tpu.sem_alloc : memref<!tpu.dma_semaphore, #tpu.memory_space<semaphore_mem>>
        %dma_start3A_163 = arith.constant 0 : i32
        %dma_start3A_164 = arith.constant 0 : i32
        %dma_start3A_165 = tpu.memref_slice %arg21[%dma_start3A_163, %dma_start3A_164] : memref<10240x128xbf16, #tpu.memory_space<vmem_shared>> -> memref<10240x128xbf16, #tpu.memory_space<vmem_shared>>
        tpu.enqueue_indirect_dma source(%arg18 : memref<128x128xbf16, #tpu.memory_space<vmem>>) target(%dma_start3A_165 : memref<10240x128xbf16, #tpu.memory_space<vmem_shared>>) offsets(%arg14 : memref<128xi32, #tpu.memory_space<vmem>>) semaphore(%run_scoped3A_162 : memref<!tpu.dma_semaphore, #tpu.memory_space<semaphore_mem>>) {add = true}
        %dma_wait3A_166 = arith.constant 0 : i32
        %dma_wait3A_167 = arith.constant 0 : i32
        %dma_wait3A_168 = tpu.memref_slice %arg21[%dma_wait3A_166, %dma_wait3A_167] : memref<10240x128xbf16, #tpu.memory_space<vmem_shared>> -> memref<10240x128xbf16, #tpu.memory_space<vmem_shared>>
        tpu.wait_indirect_dma semaphore(%run_scoped3A_162 : memref<!tpu.dma_semaphore, #tpu.memory_space<semaphore_mem>>) src(%arg18 : memref<128x128xbf16, #tpu.memory_space<vmem>>) dst(%dma_wait3A_168 : memref<10240x128xbf16, #tpu.memory_space<vmem_shared>>)
        tpu.yield
      }) : () -> ()
      %get3A_114 = arith.constant 0 : index
      %get3A_115 = tpu.vector_load %arg14[%get3A_114] {strides = array<i32>} : memref<128xi32, #tpu.memory_space<vmem>>, vector<16xi32>,
      tpu.vector_store_idx %arg20[%get3A_115], %broadcast_in_dim3A_14 {add = true} : memref<10240xf32, #tpu.memory_space<vmem>>[vector<16xi32>], vector<16xf32>,
      %get3A_116 = arith.constant 16 : index
      %get3A_117 = tpu.vector_load %arg14[%get3A_116] {strides = array<i32>} : memref<128xi32, #tpu.memory_space<vmem>>, vector<16xi32>,
      tpu.vector_store_idx %arg20[%get3A_117], %broadcast_in_dim3A_14 {add = true} : memref<10240xf32, #tpu.memory_space<vmem>>[vector<16xi32>], vector<16xf32>,
      %get3A_118 = arith.constant 32 : index
      %get3A_119 = tpu.vector_load %arg14[%get3A_118] {strides = array<i32>} : memref<128xi32, #tpu.memory_space<vmem>>, vector<16xi32>,
      tpu.vector_store_idx %arg20[%get3A_119], %broadcast_in_dim3A_14 {add = true} : memref<10240xf32, #tpu.memory_space<vmem>>[vector<16xi32>], vector<16xf32>,
      %get3A_120 = arith.constant 48 : index
      %get3A_121 = tpu.vector_load %arg14[%get3A_120] {strides = array<i32>} : memref<128xi32, #tpu.memory_space<vmem>>, vector<16xi32>,
      tpu.vector_store_idx %arg20[%get3A_121], %broadcast_in_dim3A_14 {add = true} : memref<10240xf32, #tpu.memory_space<vmem>>[vector<16xi32>], vector<16xf32>,
      %get3A_122 = arith.constant 64 : index
      %get3A_123 = tpu.vector_load %arg14[%get3A_122] {strides = array<i32>} : memref<128xi32, #tpu.memory_space<vmem>>, vector<16xi32>,
      tpu.vector_store_idx %arg20[%get3A_123], %broadcast_in_dim3A_14 {add = true} : memref<10240xf32, #tpu.memory_space<vmem>>[vector<16xi32>], vector<16xf32>,
      %get3A_124 = arith.constant 80 : index
      %get3A_125 = tpu.vector_load %arg14[%get3A_124] {strides = array<i32>} : memref<128xi32, #tpu.memory_space<vmem>>, vector<16xi32>,
      tpu.vector_store_idx %arg20[%get3A_125], %broadcast_in_dim3A_14 {add = true} : memref<10240xf32, #tpu.memory_space<vmem>>[vector<16xi32>], vector<16xf32>,
      %get3A_126 = arith.constant 96 : index
      %get3A_127 = tpu.vector_load %arg14[%get3A_126] {strides = array<i32>} : memref<128xi32, #tpu.memory_space<vmem>>, vector<16xi32>,
      tpu.vector_store_idx %arg20[%get3A_127], %broadcast_in_dim3A_14 {add = true} : memref<10240xf32, #tpu.memory_space<vmem>>[vector<16xi32>], vector<16xf32>,
      %get3A_128 = arith.constant 112 : index
      %get3A_129 = tpu.vector_load %arg14[%get3A_128] {strides = array<i32>} : memref<128xi32, #tpu.memory_space<vmem>>, vector<16xi32>,
      tpu.vector_store_idx %arg20[%get3A_129], %broadcast_in_dim3A_14 {add = true} : memref<10240xf32, #tpu.memory_space<vmem>>[vector<16xi32>], vector<16xf32>,
      %mul3A_130 = arith.constant 4 : i32
      %mul3A_131 = arith.muli %mul3A_130, %scan3A_39 : i32
      %add3A_132 = arith.constant 3 : i32
      %add3A_133 = arith.addi %mul3A_131, %add3A_132 : i32
      %dma_wait3A_134 = arith.constant 0 : i32
      %dma_wait3A_135 = arith.constant 0 : i32
      %dma_wait3A_136 = tpu.memref_slice %arg22[%dma_wait3A_134, %dma_wait3A_135] : memref<10000x128xbf16, #tpu.memory_space<vmem_shared>> -> memref<10000x128xbf16, #tpu.memory_space<vmem_shared>>
      tpu.wait_indirect_dma semaphore(%arg26 : memref<!tpu.dma_semaphore, #tpu.memory_space<semaphore_mem>>) src(%dma_wait3A_136 : memref<10000x128xbf16, #tpu.memory_space<vmem_shared>>) dst(%arg19 : memref<128x128xbf16, #tpu.memory_space<vmem>>)
      %add3A_137 = arith.constant 4 : i32
      %add3A_138 = arith.addi %add3A_133, %add3A_137 : i32
      %sub3A_139 = arith.constant 1 : i32
      %sub3A_140 = arith.subi %add3A_138, %sub3A_139 : i32
      %lt3A_141 = arith.constant 80 : i32
      %lt3A_142 = arith.cmpi slt, %sub3A_140, %lt3A_141 : i32
      %convert_element_type3A_143 = arith.extui %lt3A_142 : i1 to i32
      %cond3A_144 = arith.constant 0 : i32
      %cond3A_145 = arith.cmpi ne, %convert_element_type3A_143, %cond3A_144 : i32
      scf.if %cond3A_145 {
        %add3A_162 = arith.constant 4 : i32
        %add3A_163 = arith.addi %add3A_133, %add3A_162 : i32
        %sub3A_164 = arith.constant 1 : i32
        %sub3A_165 = arith.subi %add3A_163, %sub3A_164 : i32
        "tpu.region"() ({
          %run_scoped3A_169 = tpu.sem_alloc : memref<!tpu.dma_semaphore, #tpu.memory_space<semaphore_mem>>
          %dma_start3A_170 = arith.constant 0 : i32
          %dma_start3A_171 = tpu.memref_slice %arg3[%add3A, %sub3A_165, %dma_start3A_170] : memref<32x80x128xi32, #tpu.memory_space<hbm>> -> memref<1x1x128xi32, #tpu.memory_space<hbm>>
          %dma_start3A_172 = tpu.memref_squeeze %dma_start3A_171 : memref<1x1x128xi32, #tpu.memory_space<hbm>> -> memref<128xi32, #tpu.memory_space<hbm>>
          %dma_start3A_173 = arith.constant 0 : i32
          %dma_start3A_174 = tpu.memref_slice %arg3[%add3A, %sub3A_165, %dma_start3A_173] : memref<32x80x128xi32, #tpu.memory_space<hbm>> -> memref<1x1x128xi32, #tpu.memory_space<hbm>>
          %dma_start3A_175 = tpu.memref_squeeze %dma_start3A_174 : memref<1x1x128xi32, #tpu.memory_space<hbm>> -> memref<128xi32, #tpu.memory_space<hbm>>
          tpu.enqueue_dma source(%dma_start3A_175 : memref<128xi32, #tpu.memory_space<hbm>>) target(%arg10 : memref<128xi32, #tpu.memory_space<vmem>>) target_semaphore(%run_scoped3A_169 : memref<!tpu.dma_semaphore, #tpu.memory_space<semaphore_mem>>)
          %dma_wait3A_176 = arith.constant 0 : i32
          %dma_wait3A_177 = tpu.memref_slice %arg3[%add3A, %sub3A_165, %dma_wait3A_176] : memref<32x80x128xi32, #tpu.memory_space<hbm>> -> memref<1x1x128xi32, #tpu.memory_space<hbm>>
          %dma_wait3A_178 = tpu.memref_squeeze %dma_wait3A_177 : memref<1x1x128xi32, #tpu.memory_space<hbm>> -> memref<128xi32, #tpu.memory_space<hbm>>
          %dma_wait3A_179 = arith.constant 0 : i32
          %dma_wait3A_180 = tpu.memref_slice %arg3[%add3A, %sub3A_165, %dma_wait3A_179] : memref<32x80x128xi32, #tpu.memory_space<hbm>> -> memref<1x1x128xi32, #tpu.memory_space<hbm>>
          %dma_wait3A_181 = tpu.memref_squeeze %dma_wait3A_180 : memref<1x1x128xi32, #tpu.memory_space<hbm>> -> memref<128xi32, #tpu.memory_space<hbm>>
          tpu.wait_dma2 semaphore(%run_scoped3A_169 : memref<!tpu.dma_semaphore, #tpu.memory_space<semaphore_mem>>) src(%dma_wait3A_181 : memref<128xi32, #tpu.memory_space<hbm>>) dst(%arg10 : memref<128xi32, #tpu.memory_space<vmem>>)
          tpu.yield
        }) : () -> ()
        "tpu.region"() ({
          %run_scoped3A_169 = tpu.sem_alloc : memref<!tpu.dma_semaphore, #tpu.memory_space<semaphore_mem>>
          %dma_start3A_170 = arith.constant 0 : i32
          %dma_start3A_171 = tpu.memref_slice %arg4[%add3A, %sub3A_165, %dma_start3A_170] : memref<32x80x128xi32, #tpu.memory_space<hbm>> -> memref<1x1x128xi32, #tpu.memory_space<hbm>>
          %dma_start3A_172 = tpu.memref_squeeze %dma_start3A_171 : memref<1x1x128xi32, #tpu.memory_space<hbm>> -> memref<128xi32, #tpu.memory_space<hbm>>
          %dma_start3A_173 = arith.constant 0 : i32
          %dma_start3A_174 = tpu.memref_slice %arg4[%add3A, %sub3A_165, %dma_start3A_173] : memref<32x80x128xi32, #tpu.memory_space<hbm>> -> memref<1x1x128xi32, #tpu.memory_space<hbm>>
          %dma_start3A_175 = tpu.memref_squeeze %dma_start3A_174 : memref<1x1x128xi32, #tpu.memory_space<hbm>> -> memref<128xi32, #tpu.memory_space<hbm>>
          tpu.enqueue_dma source(%dma_start3A_175 : memref<128xi32, #tpu.memory_space<hbm>>) target(%arg14 : memref<128xi32, #tpu.memory_space<vmem>>) target_semaphore(%run_scoped3A_169 : memref<!tpu.dma_semaphore, #tpu.memory_space<semaphore_mem>>)
          %dma_wait3A_176 = arith.constant 0 : i32
          %dma_wait3A_177 = tpu.memref_slice %arg4[%add3A, %sub3A_165, %dma_wait3A_176] : memref<32x80x128xi32, #tpu.memory_space<hbm>> -> memref<1x1x128xi32, #tpu.memory_space<hbm>>
          %dma_wait3A_178 = tpu.memref_squeeze %dma_wait3A_177 : memref<1x1x128xi32, #tpu.memory_space<hbm>> -> memref<128xi32, #tpu.memory_space<hbm>>
          %dma_wait3A_179 = arith.constant 0 : i32
          %dma_wait3A_180 = tpu.memref_slice %arg4[%add3A, %sub3A_165, %dma_wait3A_179] : memref<32x80x128xi32, #tpu.memory_space<hbm>> -> memref<1x1x128xi32, #tpu.memory_space<hbm>>
          %dma_wait3A_181 = tpu.memref_squeeze %dma_wait3A_180 : memref<1x1x128xi32, #tpu.memory_space<hbm>> -> memref<128xi32, #tpu.memory_space<hbm>>
          tpu.wait_dma2 semaphore(%run_scoped3A_169 : memref<!tpu.dma_semaphore, #tpu.memory_space<semaphore_mem>>) src(%dma_wait3A_181 : memref<128xi32, #tpu.memory_space<hbm>>) dst(%arg14 : memref<128xi32, #tpu.memory_space<vmem>>)
          tpu.yield
        }) : () -> ()
        %dma_start3A_166 = arith.constant 0 : i32
        %dma_start3A_167 = arith.constant 0 : i32
        %dma_start3A_168 = tpu.memref_slice %arg2[%dma_start3A_166, %dma_start3A_167] : memref<10000x128xbf16, #tpu.memory_space<hbm>> -> memref<10000x128xbf16, #tpu.memory_space<hbm>>
        tpu.enqueue_indirect_dma source(%dma_start3A_168 : memref<10000x128xbf16, #tpu.memory_space<hbm>>) target(%arg18 : memref<128x128xbf16, #tpu.memory_space<vmem>>) offsets(%arg10 : memref<128xi32, #tpu.memory_space<vmem>>) semaphore(%arg25 : memref<!tpu.dma_semaphore, #tpu.memory_space<semaphore_mem>>)
      } else {
      }
      "tpu.region"() ({
        %run_scoped3A_162 = tpu.sem_alloc : memref<!tpu.dma_semaphore, #tpu.memory_space<semaphore_mem>>
        %dma_start3A_163 = arith.constant 0 : i32
        %dma_start3A_164 = arith.constant 0 : i32
        %dma_start3A_165 = tpu.memref_slice %arg21[%dma_start3A_163, %dma_start3A_164] : memref<10240x128xbf16, #tpu.memory_space<vmem_shared>> -> memref<10240x128xbf16, #tpu.memory_space<vmem_shared>>
        tpu.enqueue_indirect_dma source(%arg19 : memref<128x128xbf16, #tpu.memory_space<vmem>>) target(%dma_start3A_165 : memref<10240x128xbf16, #tpu.memory_space<vmem_shared>>) offsets(%arg15 : memref<128xi32, #tpu.memory_space<vmem>>) semaphore(%run_scoped3A_162 : memref<!tpu.dma_semaphore, #tpu.memory_space<semaphore_mem>>) {add = true}
        %dma_wait3A_166 = arith.constant 0 : i32
        %dma_wait3A_167 = arith.constant 0 : i32
        %dma_wait3A_168 = tpu.memref_slice %arg21[%dma_wait3A_166, %dma_wait3A_167] : memref<10240x128xbf16, #tpu.memory_space<vmem_shared>> -> memref<10240x128xbf16, #tpu.memory_space<vmem_shared>>
        tpu.wait_indirect_dma semaphore(%run_scoped3A_162 : memref<!tpu.dma_semaphore, #tpu.memory_space<semaphore_mem>>) src(%arg19 : memref<128x128xbf16, #tpu.memory_space<vmem>>) dst(%dma_wait3A_168 : memref<10240x128xbf16, #tpu.memory_space<vmem_shared>>)
        tpu.yield
      }) : () -> ()
      %get3A_146 = arith.constant 0 : index
      %get3A_147 = tpu.vector_load %arg15[%get3A_146] {strides = array<i32>} : memref<128xi32, #tpu.memory_space<vmem>>, vector<16xi32>,
      tpu.vector_store_idx %arg20[%get3A_147], %broadcast_in_dim3A_14 {add = true} : memref<10240xf32, #tpu.memory_space<vmem>>[vector<16xi32>], vector<16xf32>,
      %get3A_148 = arith.constant 16 : index
      %get3A_149 = tpu.vector_load %arg15[%get3A_148] {strides = array<i32>} : memref<128xi32, #tpu.memory_space<vmem>>, vector<16xi32>,
      tpu.vector_store_idx %arg20[%get3A_149], %broadcast_in_dim3A_14 {add = true} : memref<10240xf32, #tpu.memory_space<vmem>>[vector<16xi32>], vector<16xf32>,
      %get3A_150 = arith.constant 32 : index
      %get3A_151 = tpu.vector_load %arg15[%get3A_150] {strides = array<i32>} : memref<128xi32, #tpu.memory_space<vmem>>, vector<16xi32>,
      tpu.vector_store_idx %arg20[%get3A_151], %broadcast_in_dim3A_14 {add = true} : memref<10240xf32, #tpu.memory_space<vmem>>[vector<16xi32>], vector<16xf32>,
      %get3A_152 = arith.constant 48 : index
      %get3A_153 = tpu.vector_load %arg15[%get3A_152] {strides = array<i32>} : memref<128xi32, #tpu.memory_space<vmem>>, vector<16xi32>,
      tpu.vector_store_idx %arg20[%get3A_153], %broadcast_in_dim3A_14 {add = true} : memref<10240xf32, #tpu.memory_space<vmem>>[vector<16xi32>], vector<16xf32>,
      %get3A_154 = arith.constant 64 : index
      %get3A_155 = tpu.vector_load %arg15[%get3A_154] {strides = array<i32>} : memref<128xi32, #tpu.memory_space<vmem>>, vector<16xi32>,
      tpu.vector_store_idx %arg20[%get3A_155], %broadcast_in_dim3A_14 {add = true} : memref<10240xf32, #tpu.memory_space<vmem>>[vector<16xi32>], vector<16xf32>,
      %get3A_156 = arith.constant 80 : index
      %get3A_157 = tpu.vector_load %arg15[%get3A_156] {strides = array<i32>} : memref<128xi32, #tpu.memory_space<vmem>>, vector<16xi32>,
      tpu.vector_store_idx %arg20[%get3A_157], %broadcast_in_dim3A_14 {add = true} : memref<10240xf32, #tpu.memory_space<vmem>>[vector<16xi32>], vector<16xf32>,
      %get3A_158 = arith.constant 96 : index
      %get3A_159 = tpu.vector_load %arg15[%get3A_158] {strides = array<i32>} : memref<128xi32, #tpu.memory_space<vmem>>, vector<16xi32>,
      tpu.vector_store_idx %arg20[%get3A_159], %broadcast_in_dim3A_14 {add = true} : memref<10240xf32, #tpu.memory_space<vmem>>[vector<16xi32>], vector<16xf32>,
      %get3A_160 = arith.constant 112 : index
      %get3A_161 = tpu.vector_load %arg15[%get3A_160] {strides = array<i32>} : memref<128xi32, #tpu.memory_space<vmem>>, vector<16xi32>,
      tpu.vector_store_idx %arg20[%get3A_161], %broadcast_in_dim3A_14 {add = true} : memref<10240xf32, #tpu.memory_space<vmem>>[vector<16xi32>], vector<16xf32>,
    }
    %scan3A_33 = arith.constant 20 : i32
    %barrier3A_34 = arith.constant 0 : index
    tpu.barrier barrier_id(%barrier3A_34)
    %mul3A_35 = arith.constant 640 : i32
    %mul3A_36 = arith.muli %arg1, %mul3A_35 : i32
    %mul3A_37 = arith.constant 640 : i32
    %mul3A_38 = arith.muli %arg1, %mul3A_37 : i32
    "tpu.region"() ({
      %run_scoped3A_39 = tpu.sem_alloc : memref<!tpu.dma_semaphore, #tpu.memory_space<semaphore_mem>>
      %dma_start3A_40 = arith.constant 0 : i32
      %dma_start3A_41 = tpu.memref_slice %arg6[%arg0, %mul3A_38, %dma_start3A_40] : memref<2x10240x128xbf16, #tpu.memory_space<hbm>> -> memref<1x640x128xbf16, #tpu.memory_space<hbm>>
      %dma_start3A_42 = tpu.memref_squeeze %dma_start3A_41 : memref<1x640x128xbf16, #tpu.memory_space<hbm>> -> memref<640x128xbf16, #tpu.memory_space<hbm>>
      %dma_start3A_43 = arith.constant 0 : i32
      %dma_start3A_44 = tpu.memref_slice %arg21[%mul3A_36, %dma_start3A_43] : memref<10240x128xbf16, #tpu.memory_space<vmem_shared>> -> memref<640x128xbf16, #tpu.memory_space<vmem_shared>>
      tpu.enqueue_dma source(%dma_start3A_44 : memref<640x128xbf16, #tpu.memory_space<vmem_shared>>) target(%dma_start3A_42 : memref<640x128xbf16, #tpu.memory_space<hbm>>) target_semaphore(%run_scoped3A_39 : memref<!tpu.dma_semaphore, #tpu.memory_space<semaphore_mem>>)
      %dma_wait3A = arith.constant 0 : i32
      %dma_wait3A_45 = tpu.memref_slice %arg6[%arg0, %mul3A_38, %dma_wait3A] : memref<2x10240x128xbf16, #tpu.memory_space<hbm>> -> memref<1x640x128xbf16, #tpu.memory_space<hbm>>
      %dma_wait3A_46 = tpu.memref_squeeze %dma_wait3A_45 : memref<1x640x128xbf16, #tpu.memory_space<hbm>> -> memref<640x128xbf16, #tpu.memory_space<hbm>>
      %dma_wait3A_47 = arith.constant 0 : i32
      %dma_wait3A_48 = tpu.memref_slice %arg21[%mul3A_36, %dma_wait3A_47] : memref<10240x128xbf16, #tpu.memory_space<vmem_shared>> -> memref<640x128xbf16, #tpu.memory_space<vmem_shared>>
      tpu.wait_dma2 semaphore(%run_scoped3A_39 : memref<!tpu.dma_semaphore, #tpu.memory_space<semaphore_mem>>) src(%dma_wait3A_48 : memref<640x128xbf16, #tpu.memory_space<vmem_shared>>) dst(%dma_wait3A_46 : memref<640x128xbf16, #tpu.memory_space<hbm>>)
      tpu.yield
    }) : () -> ()
    "tpu.region"() ({
      %run_scoped3A_39 = tpu.sem_alloc : memref<!tpu.dma_semaphore, #tpu.memory_space<semaphore_mem>>
      %dma_start3A_40 = arith.constant 0 : i32
      %dma_start3A_41 = tpu.memref_slice %arg7[%add3A, %dma_start3A_40] : memref<32x10240xf32, #tpu.memory_space<hbm>> -> memref<1x10240xf32, #tpu.memory_space<hbm>>
      %dma_start3A_42 = tpu.memref_squeeze %dma_start3A_41 : memref<1x10240xf32, #tpu.memory_space<hbm>> -> memref<10240xf32, #tpu.memory_space<hbm>>
      %dma_start3A_43 = arith.constant 0 : i32
      %dma_start3A_44 = tpu.memref_slice %arg7[%add3A, %dma_start3A_43] : memref<32x10240xf32, #tpu.memory_space<hbm>> -> memref<1x10240xf32, #tpu.memory_space<hbm>>
      %dma_start3A_45 = tpu.memref_squeeze %dma_start3A_44 : memref<1x10240xf32, #tpu.memory_space<hbm>> -> memref<10240xf32, #tpu.memory_space<hbm>>
      tpu.enqueue_dma source(%arg20 : memref<10240xf32, #tpu.memory_space<vmem>>) target(%dma_start3A_45 : memref<10240xf32, #tpu.memory_space<hbm>>) target_semaphore(%run_scoped3A_39 : memref<!tpu.dma_semaphore, #tpu.memory_space<semaphore_mem>>)
      %dma_wait3A = arith.constant 0 : i32
      %dma_wait3A_46 = tpu.memref_slice %arg7[%add3A, %dma_wait3A] : memref<32x10240xf32, #tpu.memory_space<hbm>> -> memref<1x10240xf32, #tpu.memory_space<hbm>>
      %dma_wait3A_47 = tpu.memref_squeeze %dma_wait3A_46 : memref<1x10240xf32, #tpu.memory_space<hbm>> -> memref<10240xf32, #tpu.memory_space<hbm>>
      %dma_wait3A_48 = arith.constant 0 : i32
      %dma_wait3A_49 = tpu.memref_slice %arg7[%add3A, %dma_wait3A_48] : memref<32x10240xf32, #tpu.memory_space<hbm>> -> memref<1x10240xf32, #tpu.memory_space<hbm>>
      %dma_wait3A_50 = tpu.memref_squeeze %dma_wait3A_49 : memref<1x10240xf32, #tpu.memory_space<hbm>> -> memref<10240xf32, #tpu.memory_space<hbm>>
      tpu.wait_dma2 semaphore(%run_scoped3A_39 : memref<!tpu.dma_semaphore, #tpu.memory_space<semaphore_mem>>) src(%arg20 : memref<10240xf32, #tpu.memory_space<vmem>>) dst(%dma_wait3A_50 : memref<10240xf32, #tpu.memory_space<hbm>>)
      tpu.yield
    }) : () -> ()
    return
  }
}

module attributes {stable_mosaic.version = 14 : i64} {
  func.func @body(%arg0: i32, %arg1: memref<2x512x128xbf16, #tpu.memory_space<vmem>>, %arg2: memref<32x512xf32, #tpu.memory_space<vmem>>, %arg3: memref<512x128xf32, #tpu.memory_space<vmem>>, %arg4: memref<128x128xf32, #tpu.memory_space<vmem>>, %arg5: memref<1x128xf32, #tpu.memory_space<vmem>>, %arg6: memref<128x128xf32, #tpu.memory_space<vmem>>, %arg7: memref<512x128xf32, #tpu.memory_space<vmem>>) attributes {dimension_semantics = [#tpu.dimension_semantics<arbitrary>], iteration_bounds = array<i64: 20>, scalar_prefetch = 0 : i64, scratch_operands = 0 : i64, tpu.core_type = #tpu.core_type<tc>, window_params = [{transform_indices = @transform_0, window_bounds = array<i64: 2, 512, 128>}, {transform_indices = @transform_1, window_bounds = array<i64: 32, 512>}, {transform_indices = @transform_2, window_bounds = array<i64: 512, 128>}, {pipeline_mode = #tpu.pipeline_mode<synchronous>, transform_indices = @transform_3, window_bounds = array<i64: 128, 128>}, {pipeline_mode = #tpu.pipeline_mode<synchronous>, transform_indices = @transform_4, window_bounds = array<i64: 1, 128>}, {pipeline_mode = #tpu.pipeline_mode<synchronous>, transform_indices = @transform_5, window_bounds = array<i64: 128, 128>}, {transform_indices = @transform_6, window_bounds = array<i64: 512, 128>}]} {
    %get3A = arith.constant 0 : index
    %get3A_0 = arith.constant 0 : index
    %get3A_1 = arith.constant 0 : index
    %get3A_2 = vector.load %arg1[%get3A, %get3A_0, %get3A_1] : memref<2x512x128xbf16, #tpu.memory_space<vmem>>, vector<1x512x128xbf16>
    %get3A_3 = vector.shape_cast %get3A_2 : vector<1x512x128xbf16> to vector<512x128xbf16>
    %convert_element_type3A = arith.extf %get3A_3 : vector<512x128xbf16> to vector<512x128xf32>
    %get3A_4 = arith.constant 1 : index
    %get3A_5 = arith.constant 0 : index
    %get3A_6 = arith.constant 0 : index
    %get3A_7 = vector.load %arg1[%get3A_4, %get3A_5, %get3A_6] : memref<2x512x128xbf16, #tpu.memory_space<vmem>>, vector<1x512x128xbf16>
    %get3A_8 = vector.shape_cast %get3A_7 : vector<1x512x128xbf16> to vector<512x128xbf16>
    %convert_element_type3A_9 = arith.extf %get3A_8 : vector<512x128xbf16> to vector<512x128xf32>
    %add3A = arith.addf %convert_element_type3A, %convert_element_type3A_9 : vector<512x128xf32>
    %get3A_10 = arith.constant 0 : index
    %get3A_11 = arith.constant 0 : index
    %get3A_12 = vector.load %arg2[%get3A_10, %get3A_11] : memref<32x512xf32, #tpu.memory_space<vmem>>, vector<32x512xf32>
    %reduce_sum3A = arith.constant dense<0.000000e+00> : vector<512xf32>
    %reduce_sum3A_13 = vector.multi_reduction <add>, %get3A_12, %reduce_sum3A [0] : vector<32x512xf32> to vector<512xf32>
    %max3A = arith.constant 1.000000e+00 : f32
    %max3A_14 = vector.broadcast %max3A : f32 to vector<512xf32>
    %max3A_15 = arith.maximumf %reduce_sum3A_13, %max3A_14 : vector<512xf32>
    %div3A = arith.constant 1.000000e+00 : f32
    %div3A_16 = vector.broadcast %div3A : f32 to vector<512xf32>
    %div3A_17 = arith.divf %div3A_16, %max3A_15 : vector<512xf32>
    %broadcast_in_dim3A = vector.shape_cast %div3A_17 : vector<512xf32> to vector<512x1xf32>
    %mul3A = vector.broadcast %broadcast_in_dim3A : vector<512x1xf32> to vector<512x128xf32>
    %mul3A_18 = arith.mulf %add3A, %mul3A : vector<512x128xf32>
    %get3A_19 = arith.constant 0 : index
    %get3A_20 = arith.constant 0 : index
    %get3A_21 = vector.load %arg4[%get3A_19, %get3A_20] : memref<128x128xf32, #tpu.memory_space<vmem>>, vector<128x128xf32>
    %dot_general3A = arith.constant dense<0.000000e+00> : vector<512x128xf32>
    %dot_general3A_22 = tpu.matmul %mul3A_18, %get3A_21, %dot_general3A {dimension_numbers = #tpu.dot_dimension_numbers<[1], [1], [0], [0], [0, 0, 1, 0], [], []>, transpose_lhs_hint = false} : vector<512x128xf32>, vector<128x128xf32>, vector<512x128xf32> -> vector<512x128xf32>
    %get3A_23 = arith.constant 0 : index
    %get3A_24 = arith.constant 0 : index
    %get3A_25 = vector.load %arg3[%get3A_23, %get3A_24] : memref<512x128xf32, #tpu.memory_space<vmem>>, vector<512x128xf32>
    %get3A_26 = arith.constant 0 : index
    %get3A_27 = arith.constant 0 : index
    %get3A_28 = vector.load %arg6[%get3A_26, %get3A_27] : memref<128x128xf32, #tpu.memory_space<vmem>>, vector<128x128xf32>
    %dot_general3A_29 = arith.constant dense<0.000000e+00> : vector<512x128xf32>
    %dot_general3A_30 = tpu.matmul %get3A_25, %get3A_28, %dot_general3A_29 {dimension_numbers = #tpu.dot_dimension_numbers<[1], [1], [0], [0], [0, 0, 1, 0], [], []>, transpose_lhs_hint = false} : vector<512x128xf32>, vector<128x128xf32>, vector<512x128xf32> -> vector<512x128xf32>
    %add3A_31 = arith.addf %dot_general3A_22, %dot_general3A_30 : vector<512x128xf32>
    %get3A_32 = arith.constant 0 : index
    %get3A_33 = arith.constant 0 : index
    %get3A_34 = vector.load %arg5[%get3A_32, %get3A_33] : memref<1x128xf32, #tpu.memory_space<vmem>>, vector<1x128xf32>
    %add3A_35 = vector.broadcast %get3A_34 : vector<1x128xf32> to vector<512x128xf32>
    %add3A_36 = arith.addf %add3A_31, %add3A_35 : vector<512x128xf32>
    %max3A_37 = arith.constant 0.000000e+00 : f32
    %max3A_38 = vector.broadcast %max3A_37 : f32 to vector<512x128xf32>
    %max3A_39 = arith.maximumf %add3A_36, %max3A_38 : vector<512x128xf32>
    %swap3A = arith.constant 0 : index
    %swap3A_40 = arith.constant 0 : index
    %swap3A_41 = vector.load %arg7[%swap3A, %swap3A_40] : memref<512x128xf32, #tpu.memory_space<vmem>>, vector<512x128xf32>
    tpu.vector_store %arg7[%swap3A, %swap3A_40], %max3A_39 {strides = array<i32>} : memref<512x128xf32, #tpu.memory_space<vmem>>, vector<512x128xf32>,
    return
  }
  func.func @transform_0(%arg0: i32) -> (i32, i32, i32) {
    %c0_i32 = arith.constant 0 : i32
    %c0_i32_0 = arith.constant 0 : i32
    %c0_i32_1 = arith.constant 0 : i32
    return %c0_i32, %arg0, %c0_i32_0 : i32, i32, i32
  }
  func.func @transform_1(%arg0: i32) -> (i32, i32) {
    %c0_i32 = arith.constant 0 : i32
    %c0_i32_0 = arith.constant 0 : i32
    return %c0_i32, %arg0 : i32, i32
  }
  func.func @transform_2(%arg0: i32) -> (i32, i32) {
    %c0_i32 = arith.constant 0 : i32
    %c0_i32_0 = arith.constant 0 : i32
    return %arg0, %c0_i32 : i32, i32
  }
  func.func @transform_3(%arg0: i32) -> (i32, i32) {
    %c0_i32 = arith.constant 0 : i32
    %c0_i32_0 = arith.constant 0 : i32
    %c0_i32_1 = arith.constant 0 : i32
    return %c0_i32, %c0_i32_0 : i32, i32
  }
  func.func @transform_4(%arg0: i32) -> (i32, i32) {
    %c0_i32 = arith.constant 0 : i32
    %c0_i32_0 = arith.constant 0 : i32
    %c0_i32_1 = arith.constant 0 : i32
    return %c0_i32, %c0_i32_0 : i32, i32
  }
  func.func @transform_5(%arg0: i32) -> (i32, i32) {
    %c0_i32 = arith.constant 0 : i32
    %c0_i32_0 = arith.constant 0 : i32
    %c0_i32_1 = arith.constant 0 : i32
    return %c0_i32, %c0_i32_0 : i32, i32
  }
  func.func @transform_6(%arg0: i32) -> (i32, i32) {
    %c0_i32 = arith.constant 0 : i32
    %c0_i32_0 = arith.constant 0 : i32
    return %arg0, %c0_i32 : i32, i32
  }
}

</mosaic_0001>

<sc_bundles>
// kernel: kernel.4.cloned.1.call-start
scs
__scs_entry_jumppad:
0x0: {  	(pc) =	sbr.rel $0x88, $3  }
0x1: {  	(tag) =	ssettag $0x0;
	lr =	simm.s32 $0x1  }
0x2: {  	[smem:$0x3F9C] =	sst lr;
	_ =	strace $0xD0000000  }
0x3: {  	_ = 	snop  }
0x4: {  	_ = 	snop  }
0x5: {  	_ = 	snop  }
0x6: {  	_ = 	snop  }
0x7: {  	_ = 	snop  }
__scs_overlays_trampoline_lowered:
0x8: {  	[smem:$0x3FAB] =	sst s0  }
0x9: {  	[smem:$0x3FAC] =	sst s1  }
0xa: {  	[smem:$0x3FAD] =	sst s2  }
0xb: {  	[smem:$0x3FAE] =	sst s3  }
0xc: {  	[smem:$0x3FAF] =	sst s4  }
0xd: {  	[smem:$0x3FB0] =	sst s5  }
0xe: {  	[smem:$0x3FB1] =	sst s6  }
0xf: {  	[smem:$0x3FB2] =	sst s7  }
0x10: {  	[smem:$0x3FB3] =	sst s8  }
0x11: {  	[smem:$0x3FB4] =	sst s9;
	s0 =	simm.s32 @!p0 $0x0  }
0x12: {  	s1 =	sld [smem:$0x3F9A];
	s0 =	simm.s32 @p0 $0x1  }
0x13: {  	[smem:$0x3FB5] =	sst s0;
	s0 =	simm.s32 @!p1 $0x0  }
0x14: {  	s2 =	sld [smem:$0x3F99];
	s0 =	simm.s32 @p1 $0x1  }
0x15: {  	[smem:$0x3FB6] =	sst s0;
	s0 =	simm.s32 @!p2 $0x0  }
0x16: {  	s3 =	sld [smem:$0x3FDB];
	s0 =	simm.s32 @p2 $0x1  }
0x17: {  	s4 =	simm.s32 $0x1BF5;
	[smem:$0x3FB8] =	sst s0  }
0x18: {  	s0 =	sld [smem:$0x3F9B];
	_ =	swait.ge [sflag:s4], $0x0  }
0x19: {  	s7 =	sld [smem:$0x3F9C]  }
0x1a: {  	s8 =	sadd.s32 $0xFFFFE003, lr  }
0x1b: {  	s9 =	sadd.s32 $0xFFFFFEF7, lr;
	s5 =	simm.s32 $0xFFFFFFFF;
	p2 =	slt.u32 s8, $0xFFFFF086  }
0x1c: {  	p1 =	slt.u32 s9, $0xF7A;
	s5 =	simm.s32 @!p2 $0x0  }
0x1d: {  	s5 =	simm.s32 @p1 $0x1;
	p0 =	seq.s32 s7, s2  }
0x1e: {  	s7 =	smul.u32 @!p0 $0xF7A, s2;
	p2 =	seq.s32 @!p0 s5, $0x0  }
0x1f: {  	s9 =	smul.u32 $0xF7A, s1;
	s8 =	simm.s32 @!p0 $0x1BF5;
	p2 =	por !p2, p0  }
0x20: {  	[sflag:s8] =	ssyncset.s32 @!p0 $0xFFFFF086;
	s6 =	sadd.s32 @!p0 s3, s7;
	s7 =	simm.s32 @!p0 $0x108  }
0x21: {  	s3 =	sadd.s32 s3, s9;
	s6 =	sadd.s32 @!p0 $0x88, s6;
	s7 =	simm.s32 @p2 $0x1082  }
0x22: {  	[simem:s7], [sflag:s8] =	dma.local @!p0 [hbm:s6], $0xF7A  }
0x23: {  	s9 =	sor.u32 $0xD0000000, s2;
	s6 =	simm.s32 $0x108;
	_ =	swait.ge @!p0 [sflag:s8], $0x0  }
0x24: {  	s3 =	sadd.s32 $0x88, s3;
	s6 =	simm.s32 @!p1 $0x1082;
	[sflag:s4] =	ssyncset.s32 $0xFFFFF086  }
0x25: {  	[simem:s6], [sflag:s4] =	dma.local [hbm:s3], $0xF7A  }
0x26: {  	[smem:$0x3F9C] =	sst s1;
	(tag) =	ssettag s2;
	_ =	strace s9  }
0x27: {  	s1 =	sld [smem:$0x3FAC]  }
0x28: {  	s2 =	sld [smem:$0x3FAD]  }
0x29: {  	s4 =	sld [smem:$0x3FAF]  }
0x2a: {  	p0 =	seq.s32 s5, $0x0;
	s5 =	sld [smem:$0x3FB0]  }
0x2b: {  	s6 =	sld [smem:$0x3FB1]  }
0x2c: {  	s7 =	sld [smem:$0x3FB2]  }
0x2d: {  	s3 =	simm.s32 $0x108;
	s8 =	sld [smem:$0x3FB3]  }
0x2e: {  	s3 =	simm.s32 @!p0 $0x1082;
	s9 =	sld [smem:$0x3FB4]  }
0x2f: {  	lr =	sadd.s32 s0, s3;
	s0 =	sld [smem:$0x3FAB]  }
0x30: {  	s3 =	sld [smem:$0x3FAE]  }
0x31: {  	[smem:$0x3FB7] =	sst s10  }
0x32: {  	s10 =	sld [smem:$0x3FB5];
	_ =	sdelay $0x3  }
0x33: {  	p0 =	seq.s32 s10, $0x1;
	s10 =	sld [smem:$0x3FB7];
	_ =	sdelay $0x3  }
0x34: {  	[smem:$0x3FB7] =	sst s10  }
0x35: {  	s10 =	sld [smem:$0x3FB6];
	_ =	sdelay $0x3  }
0x36: {  	p1 =	seq.s32 s10, $0x1;
	s10 =	sld [smem:$0x3FB7];
	_ =	sdelay $0x3  }
0x37: {  	[smem:$0x3FB7] =	sst s10  }
0x38: {  	s10 =	sld [smem:$0x3FB8]  }
0x39: {  	_ = 	snop;
	(pc) =	sbr.ind lr, $3  }
0x3a: {  	_ = 	snop  }
0x3b: {  	_ = 	snop  }
0x3c: {  	p2 =	seq.s32 s10, $0x1;
	s10 =	sld [smem:$0x3FB7]  }
0x3d: {  	_ =	shalt  }
0x3e: {  	_ =	shalt  }
0x3f: {  	_ =	shalt  }
0x40: {  	_ =	shalt  }
0x41: {  	_ =	shalt  }
0x42: {  	_ =	shalt  }
0x43: {  	_ =	shalt  }
0x44: {  	_ =	shalt  }
0x45: {  	_ =	shalt  }
0x46: {  	_ =	shalt  }
0x47: {  	_ =	shalt  }
0x48: {  	_ =	shalt  }
0x49: {  	_ =	shalt  }
0x4a: {  	_ =	shalt  }
0x4b: {  	_ =	shalt  }
0x4c: {  	_ =	shalt  }
0x4d: {  	_ =	shalt  }
0x4e: {  	_ =	shalt  }
0x4f: {  	_ =	shalt  }
0x50: {  	_ =	shalt  }
0x51: {  	_ =	shalt  }
0x52: {  	_ =	shalt  }
0x53: {  	_ =	shalt  }
0x54: {  	_ =	shalt  }
0x55: {  	_ =	shalt  }
0x56: {  	_ =	shalt  }
0x57: {  	_ =	shalt  }
0x58: {  	_ =	shalt  }
0x59: {  	_ =	shalt  }
0x5a: {  	_ =	shalt  }
0x5b: {  	_ =	shalt  }
0x5c: {  	_ =	shalt  }
0x5d: {  	_ =	shalt  }
0x5e: {  	_ =	shalt  }
0x5f: {  	_ =	shalt  }
0x60: {  	_ =	shalt  }
0x61: {  	_ =	shalt  }
0x62: {  	_ =	shalt  }
0x63: {  	_ =	shalt  }
0x64: {  	_ =	shalt  }
0x65: {  	_ =	shalt  }
0x66: {  	_ =	shalt  }
0x67: {  	_ =	shalt  }
0x68: {  	_ =	shalt  }
0x69: {  	_ =	shalt  }
0x6a: {  	_ =	shalt  }
0x6b: {  	_ =	shalt  }
0x6c: {  	_ =	shalt  }
0x6d: {  	_ =	shalt  }
0x6e: {  	_ =	shalt  }
0x6f: {  	_ =	shalt  }
0x70: {  	_ =	shalt  }
0x71: {  	_ =	shalt  }
0x72: {  	_ =	shalt  }
0x73: {  	_ =	shalt  }
0x74: {  	_ =	shalt  }
0x75: {  	_ =	shalt  }
0x76: {  	_ =	shalt  }
0x77: {  	_ =	shalt  }
0x78: {  	_ =	shalt  }
0x79: {  	_ =	shalt  }
0x7a: {  	_ =	shalt  }
0x7b: {  	_ =	shalt  }
0x7c: {  	_ =	shalt  }
0x7d: {  	_ =	shalt  }
0x7e: {  	_ =	shalt  }
0x7f: {  	_ =	shalt  }
0x80: {  	_ =	shalt  }
0x81: {  	_ =	shalt  }
0x82: {  	_ =	shalt  }
0x83: {  	_ =	shalt  }
0x84: {  	_ =	shalt  }
0x85: {  	_ =	shalt  }
0x86: {  	_ =	shalt  }
0x87: {  	_ =	shalt  }
.Lfunc_end0:
.L_simem_size_0:
called_computation_lowered:
.L_overlay_start_0:
0x88: {  	s2 =	sld [smem:$0x3FD9]  }
0x89: {  	s3 =	sld [smem:$0x3FFE];
	_ =	sdelay $0x1  }
0x8a: {  	s1 =	srdreg.scid  }
0x8b: {  	s0 =	sand.u32 $0x1, s1  }
0x8c: {  	s17 =	sshll.u32 s0, $0xA;
	s2 =	sadd.s32 s3, s2  }
0x8d: {  	s2 =	sadd.s32 s2, s17  }
0x8e: {  	[smem:$0x3FC3] =	sst s2  }
0x8f: {  	_ = 	snop  }
0x90: {  	s2 =	sld [smem:$0x3FD0];
	(tm) =	ssettm $0x1  }
0x91: {  	s18 =	sld [smem:$0x3FFB];
	_ =	sdelay $0x3  }
0x92: {  	_ =	strace s18  }
0x93: {  	s3 =	sld [smem:$0x3FFC];
	_ =	sdelay $0x3  }
0x94: {  	_ =	strace s3  }
0x95: {  	s3 =	sld [smem:$0x3FFD];
	_ =	sdelay $0x3  }
0x96: {  	_ =	strace s3  }
0x97: {  	_ =	strace $0x8FFFFFFF  }
0x98: {  	s19 =	sld [smem:$0x3FDB];
	_ =	sdelay $0x1  }
0x99: {  	s4 =	simm.s32 $_scs_section_size  }
0x9a: {  	s5 =	simm.s32 $_size__tile_overlayer_lowered;
	s6 =	simm.s32 $_tile_overlayer_lowered  }
0x9b: {  	s22 =	simm.s32 $0x1BFF;
	s21 =	sshll.u32 s6, $0x1;
	s3 =	sadd.s32 s4, s19  }
0x9c: {  	s7 =	simm.s32 $0x0;
	s20 =	sshll.u32 s5, $0x1;
	s5 =	sadd.s32 s21, s3  }
0x9d: {  	[timem:s7], [sflag:s22] =	dma.local [hbm:s5], s20  }
0x9e: {  	_ =	swait.ge [sflag:s22], s20  }
0x9f: {  	s4 =	ssub.s32 $0x0, s20;
	[sflag:s22] =	ssyncset.done $0x0  }
0xa0: {  	[sflag:s22] =	ssyncadd.s32 s4;
	_ =	sdelay $0x1  }
0xa1: {  	s23 =	simm.s32 $0x1B8B  }
0xa2: {  	_ =	swait.ge [sflag:s23], $0x1  }
0xa3: {  	[sflag:s23] =	ssyncset.done $0x0  }
0xa4: {  	s25 =	simm.s32 $0x1B8E;
	s24 =	sld [smem:$0x3FFE];
	[sflag:s23] =	ssyncadd.s32 $0xFFFFFFFF  }
0xa5: {  	s26 =	simm.s32 $execute0_lowered;
	[smem:$0x3FD2] =	sst s25  }
0xa6: {  	s5 =	sshll.u32 s26, $0x1;
	_ =	strace $0x80000046;
	[dreg:$0x1] =	wrdreg $0xFFFFFFFF  }
0xa7: {  	s28 =	simm.s32 $_size_execute0_lowered;
	s3 =	sadd.s32 s3, s5;
	[dreg:$0x0] =	wrdreg $0x0  }
0xa8: {  	s5 =	sshll.u32 s28, $0x1;
	[dreg:$0x2] =	wrdreg s3  }
0xa9: {  	[dreg:$0x3] =	wrdreg s5  }
0xaa: {  	[dreg:$0x4] =	wrdreg $0xC0  }
0xab: {  	_ =	task [dreg:s7], $0x5FFFF  }
0xac: {  	[dreg:$0x1] =	wrdreg $0xFFFFFFFF  }
0xad: {  	[dreg:$0x0] =	wrdreg $0x60  }
0xae: {  	[dreg:$0x2] =	wrdreg s2  }
0xaf: {  	[dreg:$0x3] =	wrdreg s24  }
0xb0: {  	[dreg:$0x4] =	wrdreg $0xAC000  }
0xb1: {  	[dreg:$0x5] =	wrdreg $0x14C000  }
0xb2: {  	[dreg:$0x6] =	wrdreg $0x9  }
0xb3: {  	_ =	task.clear_ibuf [dreg:s7], $0x7FFFF;
	_ =	strace $0x90000046  }
0xb4: {  	s29 =	simm.s32 $0x9;
	_ =	strace $0x80000048  }
0xb5: {  	_ =	swait.ge [sflag:s29], $0x1  }
0xb6: {  	[sflag:s29] =	ssyncadd.s32 $0xFFFFFFFF  }
0xb7: {  	_ =	strace $0x90000048  }
0xb8: {  	_ =	sfence  }
0xb9: {  	s30 =	sld [smem:$0x0];
	_ =	sdelay $0x2  }
0xba: {  	s31 =	sshll.u32 s1, $0xD;
	s1 =	sshrl.u32 s1, $0x2  }
0xbb: {  	s3 =	sand.u32 $0x4000, s31;
	s1 =	sadd.s32 s1, s30  }
0xbc: {  	s0 =	sor.u32 s3, s0;
	s1 =	sshll.u32 s1, $0x11  }
0xbd: {  	s0 =	sor.u32 s1, s0  }
0xbe: {  	s0 =	sadd.s32 $0x8F2B, s0  }
0xbf: {  	[sflag:s0] =	ssyncadd.remote.s32 $0x1  }
0xc0: {  	_ =	sfence.sel $0xFFFF  }
0xc1: {  	[dreg:$0x0] =	wrdreg $0xFFFFFFFF;
	(pc) =	sbr.abs _section_cstart, $3  }
0xc2: {  	[dreg:$0x1] =	wrdreg $0xFFFFFFFF  }
0xc3: {  	_ =	task.clear_ibuf [dreg:s7], $0x2FFFF;
	_ =	strace $0x9FFFFFFF  }
0xc4: {  	(tm) =	ssettm $0x7FFFFFFF  }
0xc5: {  	_ =	shalt  }
tec
execute0_lowered:
.L_overlay_start_1:
0x0: {  	(tag) =	ssettag $0x1  }
0x1: {  	s1 =	rddreg [dreg:$0x0]  }
0x2: {  	s0 =	rddreg [dreg:$0x1]  }
0x3: {  	s2 =	rddreg [dreg:$0x2]  }
0x4: {  	s4 =	rddreg [dreg:$0x3];
	s3 =	srdreg.scid;
	s5 =	simm.s32 $0x0  }
0x5: {  	s14 =	stileid.u32;
	s28 =	simm.s32 $0x300;
	s29 =	simm.s32 $0x4400  }
0x6: {  	s30 =	simm.s32 $0x1;
	s31 =	simm.s32 $0x180;
	s3 =	sand.u32 $0x1, s3  }
0x7: {  	[smem:$0x7FF] =	sst s5;
	s6 =	smul.u32 $0x14000, s14;
	s9 =	sadd.s32 $0xC600, s0  }
0x8: {  	s10 =	sadd.s32 $0x2600, s0;
	s11 =	sadd.s32 $0x1200, s0;
	s16 =	smul.u32 $0x13880, s14  }
0x9: {  	s15 =	sshll.u32 s14, $0x6;
	s7 =	sshll.u32 s3, $0x4;
	s8 =	smul.u32 $0x140000, s3  }
0xa: {  	_ =	strace $0x80000047;
	s26 =	ssub.s32 $0x2, s3;
	s3 =	smul.u32 $0x28000, s3  }
0xb: {  	[dreg:$0xd] =	wrdreg s11;
	s7 =	sor.u32 s14, s7;
	s14 =	smul.u32 $0x2800, s14  }
0xc: {  	s12 =	sshrl.u32 s26, $0x1;
	s17 =	sshrl.u32 s16, $0x1;
	s7 =	smul.u32 $0x2800, s7  }
0xd: {  	s8 =	sadd.s32 s6, s8;
	s11 =	ssub.s32 s26, s12;
	s6 =	sshrl.u32 s6, $0x1  }
0xe: {  	s12 =	sshrl.u32 s16, $0x4;
	s8 =	sshrl.u32 s8, $0x4;
	s6 =	sadd.s32 s6, s2  }
0xf: {  	s12 =	sadd.s32 s1, s12;
	s3 =	sadd.s32 s14, s3;
	s7 =	sshrl.u32 s7, $0x3  }
0x10: {  	s13 =	sadd.s32 s8, s0;
	[dreg:$0xe] =	wrdreg s6;
	s8 =	sor.u32 $0x1C05, s15  }
0x11: {  	s6 =	sadd.s32 s17, s4;
	[dreg:$0xf] =	wrdreg s12;
	s22 =	sor.u32 $0x300, s3  }
0x12: {  	s26 =	sor.u32 $0x280, s3;
	s17 =	sor.u32 $0x200, s3;
	s18 =	sadd.s32 s9, s7  }
0x13: {  	s19 =	sadd.s32 s10, s7;
	s20 =	sor.u32 $0x10, s7;
	[dreg:$0x10] =	wrdreg s18  }
0x14: {  	s24 =	sshrl.u32 s22, $0x3;
	s22 =	sadd.s32 $0x16600, s13;
	[dreg:$0x11] =	wrdreg s19  }
0x15: {  	s15 =	sshrl.u32 s26, $0x3;
	s26 =	sshrl.u32 s6, $0x3;
	[dreg:$0x16] =	wrdreg s22  }
0x16: {  	s0 =	sadd.s32 s7, s0;
	s21 =	sadd.s32 s9, s20;
	[dreg:$0x19] =	wrdreg s26  }
0x17: {  	s7 =	sor.u32 $0x20, s7;
	s12 =	sadd.s32 s10, s20;
	[dreg:$0x12] =	wrdreg s21  }
0x18: {  	s3 =	sor.u32 $0x180, s3;
	s23 =	sadd.s32 s9, s7;
	[dreg:$0x13] =	wrdreg s12  }
0x19: {  	s3 =	sshrl.u32 s3, $0x3;
	s7 =	sadd.s32 s10, s7;
	[dreg:$0x14] =	wrdreg s23  }
0x1a: {  	s6 =	simm.s32 $0x8400;
	s25 =	sadd.s32 s24, s10;
	[dreg:$0x15] =	wrdreg s7  }
0x1b: {  	s16 =	sadd.s32 s15, s10;
	s18 =	sadd.s32 s15, s9;
	[dreg:$0x5] =	wrdreg s25  }
0x1c: {  	s19 =	sshrl.u32 s17, $0x3;
	s0 =	sadd.s32 $0x3E600, s0;
	[dreg:$0x7] =	wrdreg s16  }
0x1d: {  	s22 =	simm.s32 $0x80;
	s26 =	simm.s32 $0x100;
	[dreg:$0x8] =	wrdreg s18  }
0x1e: {  	s12 =	sadd.s32 s24, s9;
	s20 =	sadd.s32 s19, s10;
	[dreg:$0x17] =	wrdreg s0  }
0x1f: {  	s21 =	sadd.s32 s19, s9;
	s23 =	sadd.s32 s3, s10;
	[dreg:$0x6] =	wrdreg s12  }
0x20: {  	s24 =	sadd.s32 s3, s9;
	s25 =	smax.u32 s11, $0x1;
	[dreg:$0x9] =	wrdreg s20  }
0x21: {  	s19 =	simm.s32 $0x5;
	s0 =	simm.s32 $0x380;
	[dreg:$0xa] =	wrdreg s21  }
0x22: {  	s3 =	simm.s32 $0x6400;
	s7 =	simm.s32 $0x2;
	[dreg:$0xb] =	wrdreg s23  }
0x23: {  	s9 =	simm.s32 $0x3;
	s10 =	simm.s32 $0x4;
	[dreg:$0x18] =	wrdreg s25  }
0x24: {  	s11 =	simm.s32 $0x0;
	[dreg:$0xc] =	wrdreg s24;
	s21 =	simm.s32 $0x200  }
0x25: {  	v0 =	vimm.f32 $0.0e+00;
	v1 =	vimm.f32 $1.000000000e+00;
	s23 =	simm.s32 $0x400;
	s24 =	simm.s32 $0x280;
	s25 =	simm.s32 $0x2400  }
.LBB2_1:
0x26: {  	s12 =	rddreg [dreg:$0xe]  }
0x27: {  	s13 =	rddreg [dreg:$0xd];
	s12 =	sshrl.u32 s12, $0x3  }
0x28: {  	[spmem:s12], [sflag:s8] =	dma.local [hbm:s13], $0x1400  }
0x29: {  	_ =	swait.ge [sflag:s19], $0x1400  }
0x2a: {  	[sflag:s19] =	ssyncset.done $0x0;
	s20 =	rddreg [dreg:$0xf]  }
0x2b: {  	s14 =	rddreg [dreg:$0x19];
	[sflag:s19] =	ssyncadd.s32 $0xFFFFEC00  }
0x2c: {  	[spmem:s14], [sflag:s8] =	dma.local [hbm:s20], $0x1388  }
0x2d: {  	_ =	swait.ge [sflag:s19], $0x1388  }
0x2e: {  	[sflag:s19] =	ssyncset.done $0x0  }
0x2f: {  	s13 =	simm.s32 $0x40;
	s14 =	simm.s32 $0x0;
	[sflag:s19] =	ssyncadd.s32 $0xFFFFEC78  }
.LBB2_2:
0x30: {  	p0 =	sne.s32 s13, $0x9FC0;
	[tilespmem:s14+$0x8400] =	vst v0;
	s14 =	smov.u32 s13;
	s13 =	sadd.s32 $0x40, s13  }
.Ltmp0:
0x31: {  	(pc) =	sbr.rel @p0 .LBB2_2-.Ltmp0, $2  }
0x32: {  	_ =	sdelay $0x2  }
0x33: {  	s14 =	sshra.s32 s14, $0x2  }
0x34: {  	[tilespmem:s14+$0x8400] =	vst v0  }
0x35: {  	[bflag:$0x0] =	sbarrier.arrive $0xFFFF  }
0x36: {  	s13 =	simm.s32 $0x0;
	s20 =	rddreg [dreg:$0x10]  }
0x37: {  	[tilespmem:s13], [sflag:$0x5] =	stream.linear.gather [hbm4b:s20+s13], $0x80, $0x38;
	[tilespmem:$0x1E840] =	vst v63  }
0x38: {  	_ =	swait.ge [sflag:s19], $0x80  }
0x39: {  	[sflag:s19] =	ssyncset.done $0x0  }
0x3a: {  	s15 =	rddreg [dreg:$0x11];
	[sflag:s19] =	ssyncadd.s32 $0xFFFFFF80  }
0x3b: {  	[tilespmem:s21], [sflag:$0x5] =	stream.linear.gather [hbm4b:s15+s13], $0x80, $0x38;
	[tilespmem:$0x1E840] =	vst v63  }
0x3c: {  	_ =	swait.ge [sflag:s19], $0x80  }
0x3d: {  	[sflag:s19] =	ssyncset.done $0x0  }
0x3e: {  	[sflag:s19] =	ssyncadd.s32 $0xFFFFFF80  }
0x3f: {  	[tilespmem:s23], [sflag:$0x1] =	stream.indirect.gather [hbm4b:s1+s22], $0x40, s13, s22, $0xb8;
	[tilespmem:$0x1E840] =	vst v63  }
0x40: {  	s16 =	rddreg [dreg:$0x12]  }
0x41: {  	[tilespmem:s22], [sflag:$0x5] =	stream.linear.gather [hbm4b:s16+s13], $0x80, $0x38;
	[tilespmem:$0x1E840] =	vst v63  }
0x42: {  	_ =	swait.ge [sflag:s19], $0x80  }
0x43: {  	[sflag:s19] =	ssyncset.done $0x0  }
0x44: {  	s17 =	rddreg [dreg:$0x13];
	[sflag:s19] =	ssyncadd.s32 $0xFFFFFF80  }
0x45: {  	[tilespmem:s24], [sflag:$0x5] =	stream.linear.gather [hbm4b:s17+s13], $0x80, $0x38;
	[tilespmem:$0x1E840] =	vst v63  }
0x46: {  	_ =	swait.ge [sflag:s19], $0x80  }
0x47: {  	[sflag:s19] =	ssyncset.done $0x0  }
0x48: {  	[sflag:s19] =	ssyncadd.s32 $0xFFFFFF80  }
0x49: {  	[tilespmem:s25], [sflag:$0x2] =	stream.indirect.gather [spmem:s4], $0x40, s22, s22, $0xb8;
	[tilespmem:$0x1E840] =	vst v63  }
0x4a: {  	s18 =	rddreg [dreg:$0x14]  }
0x4b: {  	[tilespmem:s26], [sflag:$0x5] =	stream.linear.gather [hbm4b:s18+s13], $0x80, $0x38;
	[tilespmem:$0x1E840] =	vst v63  }
0x4c: {  	_ =	swait.ge [sflag:s19], $0x80  }
0x4d: {  	[sflag:s19] =	ssyncset.done $0x0  }
0x4e: {  	s20 =	rddreg [dreg:$0x15];
	[sflag:s19] =	ssyncadd.s32 $0xFFFFFF80  }
0x4f: {  	[tilespmem:s28], [sflag:$0x5] =	stream.linear.gather [hbm4b:s20+s13], $0x80, $0x38;
	[tilespmem:$0x1E840] =	vst v63  }
0x50: {  	_ =	swait.ge [sflag:s19], $0x80  }
0x51: {  	[sflag:s19] =	ssyncset.done $0x0  }
0x52: {  	[sflag:s19] =	ssyncadd.s32 $0xFFFFFF80  }
0x53: {  	[tilespmem:s29], [sflag:$0x3] =	stream.indirect.gather [hbm4b:s1+s22], $0x40, s26, s22, $0xb8;
	[tilespmem:$0x1E840] =	vst v63  }
.LBB2_4:
0x54: {  	_ =	swait.ge [sflag:s30], $0x2000  }
0x55: {  	s14 =	rddreg [dreg:$0xc];
	[sflag:s30] =	ssyncset.done $0x0  }
0x56: {  	[sflag:s30] =	ssyncadd.s32 $0xFFFFE000;
	s14 =	sadd.s32 s13, s14  }
0x57: {  	[tilespmem:s31], [sflag:$0x5] =	stream.linear.gather [hbm4b:s14+s5], $0x80, $0x38;
	[tilespmem:$0x1E840] =	vst v63  }
0x58: {  	_ =	swait.ge [sflag:s19], $0x80  }
0x59: {  	s20 =	rddreg [dreg:$0xb];
	[sflag:s19] =	ssyncset.done $0x0  }
0x5a: {  	[sflag:s19] =	ssyncadd.s32 $0xFFFFFF80;
	s14 =	sadd.s32 s13, s20  }
0x5b: {  	[tilespmem:s0], [sflag:$0x5] =	stream.linear.gather [hbm4b:s14+s5], $0x80, $0x38;
	[tilespmem:$0x1E840] =	vst v63  }
0x5c: {  	_ =	swait.ge [sflag:s19], $0x80  }
0x5d: {  	[sflag:s19] =	ssyncset.done $0x0  }
0x5e: {  	[sflag:s19] =	ssyncadd.s32 $0xFFFFFF80  }
0x5f: {  	[tilespmem:s3], [sflag:$0x4] =	stream.indirect.gather [spmem:s4], $0x40, s31, s22, $0xb8;
	[tilespmem:$0x1E840] =	vst v63  }
0x60: {  	_ = 	snop  }
0x61: {  	[spmem:s2] =	stream.indirect.scatter.add.bf16 [tilespmem:s23], [sflag:$0x5], $0x40, s21, s22, $0xb8;
	[tilespmem:$0x1E840] =	vst v63  }
0x62: {  	_ =	swait.ge [sflag:s19], $0x2000  }
0x63: {  	[sflag:s19] =	ssyncset.done $0x0  }
0x64: {  	[sflag:s19] =	ssyncadd.s32 $0xFFFFE000  }
0x65: {  	v2 =	vld [tilespmem:$0x200];
	_ =	sdelay $0x7  }
0x66: {  	[tilespmem:v2+s6+$0x0] =	vst.idx.add.f32.msk $0xffff, v1  }
0x67: {  	v2 =	vld [tilespmem:$0x210];
	_ =	sdelay $0x7  }
0x68: {  	[tilespmem:v2+s6+$0x0] =	vst.idx.add.f32.msk $0xffff, v1  }
0x69: {  	v2 =	vld [tilespmem:$0x220];
	_ =	sdelay $0x7  }
0x6a: {  	[tilespmem:v2+s6+$0x0] =	vst.idx.add.f32.msk $0xffff, v1  }
0x6b: {  	v2 =	vld [tilespmem:$0x230];
	_ =	sdelay $0x7  }
0x6c: {  	[tilespmem:v2+s6+$0x0] =	vst.idx.add.f32.msk $0xffff, v1  }
0x6d: {  	v2 =	vld [tilespmem:$0x240];
	_ =	sdelay $0x7  }
0x6e: {  	[tilespmem:v2+s6+$0x0] =	vst.idx.add.f32.msk $0xffff, v1  }
0x6f: {  	v2 =	vld [tilespmem:$0x250];
	_ =	sdelay $0x7  }
0x70: {  	[tilespmem:v2+s6+$0x0] =	vst.idx.add.f32.msk $0xffff, v1  }
0x71: {  	v2 =	vld [tilespmem:$0x260];
	_ =	sdelay $0x7  }
0x72: {  	[tilespmem:v2+s6+$0x0] =	vst.idx.add.f32.msk $0xffff, v1  }
0x73: {  	v2 =	vld [tilespmem:$0x270];
	_ =	sdelay $0x7  }
0x74: {  	[tilespmem:v2+s6+$0x0] =	vst.idx.add.f32.msk $0xffff, v1  }
0x75: {  	_ =	swait.ge [sflag:s7], $0x2000  }
0x76: {  	p0 =	seq.s32 s13, $0x4C0;
	s14 =	rddreg [dreg:$0xa];
	[sflag:s7] =	ssyncset.done $0x0  }
0x77: {  	s15 =	simm.s32 @!p0 $0x0;
	[sflag:s7] =	ssyncadd.s32 $0xFFFFE000;
	s14 =	sadd.s32 @!p0 s13, s14  }
0x78: {  	[tilespmem:s15], [sflag:$0x5] =	stream.linear.gather @!p0 [hbm4b:s14+s15], $0x80, $0x38;
	[tilespmem:$0x1E840] =	vst v63  }
0x79: {  	s14 =	simm.s32 @!p0 $0x5  }
0x7a: {  	_ =	swait.ge @!p0 [sflag:s14], $0x80  }
0x7b: {  	s16 =	rddreg [dreg:$0x9];
	[sflag:s14] =	ssyncset.done @!p0 $0x0  }
0x7c: {  	s17 =	simm.s32 @!p0 $0x200;
	[sflag:s14] =	ssyncadd.s32 @!p0 $0xFFFFFF80;
	s16 =	sadd.s32 @!p0 s13, s16  }
0x7d: {  	[tilespmem:s17], [sflag:$0x5] =	stream.linear.gather @!p0 [hbm4b:s16+s15], $0x80, $0x38;
	[tilespmem:$0x1E840] =	vst v63  }
0x7e: {  	_ =	swait.ge @!p0 [sflag:s14], $0x80  }
0x7f: {  	[sflag:s14] =	ssyncset.done @!p0 $0x0  }
0x80: {  	s16 =	simm.s32 @!p0 $0x80;
	s17 =	simm.s32 @!p0 $0x400;
	[sflag:s14] =	ssyncadd.s32 @!p0 $0xFFFFFF80  }
0x81: {  	[tilespmem:s17], [sflag:$0x1] =	stream.indirect.gather @!p0 [hbm4b:s1+s16], $0x40, s15, s16, $0xb8;
	[tilespmem:$0x1E840] =	vst v63  }
0x82: {  	_ = 	snop  }
0x83: {  	[spmem:s2] =	stream.indirect.scatter.add.bf16 [tilespmem:s25], [sflag:$0x5], $0x40, s24, s22, $0xb8;
	[tilespmem:$0x1E840] =	vst v63  }
0x84: {  	_ =	swait.ge [sflag:s19], $0x2000  }
0x85: {  	[sflag:s19] =	ssyncset.done $0x0  }
0x86: {  	[sflag:s19] =	ssyncadd.s32 $0xFFFFE000  }
0x87: {  	v2 =	vld [tilespmem:$0x280];
	_ =	sdelay $0x7  }
0x88: {  	[tilespmem:v2+s6+$0x0] =	vst.idx.add.f32.msk $0xffff, v1  }
0x89: {  	v2 =	vld [tilespmem:$0x290];
	_ =	sdelay $0x7  }
0x8a: {  	[tilespmem:v2+s6+$0x0] =	vst.idx.add.f32.msk $0xffff, v1  }
0x8b: {  	v2 =	vld [tilespmem:$0x2A0];
	_ =	sdelay $0x7  }
0x8c: {  	[tilespmem:v2+s6+$0x0] =	vst.idx.add.f32.msk $0xffff, v1  }
0x8d: {  	v2 =	vld [tilespmem:$0x2B0];
	_ =	sdelay $0x7  }
0x8e: {  	[tilespmem:v2+s6+$0x0] =	vst.idx.add.f32.msk $0xffff, v1  }
0x8f: {  	v2 =	vld [tilespmem:$0x2C0];
	_ =	sdelay $0x7  }
0x90: {  	[tilespmem:v2+s6+$0x0] =	vst.idx.add.f32.msk $0xffff, v1  }
0x91: {  	v2 =	vld [tilespmem:$0x2D0];
	_ =	sdelay $0x7  }
0x92: {  	[tilespmem:v2+s6+$0x0] =	vst.idx.add.f32.msk $0xffff, v1  }
0x93: {  	v2 =	vld [tilespmem:$0x2E0];
	_ =	sdelay $0x7  }
0x94: {  	[tilespmem:v2+s6+$0x0] =	vst.idx.add.f32.msk $0xffff, v1  }
0x95: {  	v2 =	vld [tilespmem:$0x2F0];
	_ =	sdelay $0x7  }
0x96: {  	[tilespmem:v2+s6+$0x0] =	vst.idx.add.f32.msk $0xffff, v1  }
0x97: {  	_ =	swait.ge [sflag:s9], $0x2000  }
0x98: {  	s17 =	rddreg [dreg:$0x8];
	[sflag:s9] =	ssyncset.done $0x0  }
0x99: {  	[sflag:s9] =	ssyncadd.s32 $0xFFFFE000;
	s17 =	sadd.s32 @!p0 s13, s17  }
0x9a: {  	[tilespmem:s16], [sflag:$0x5] =	stream.linear.gather @!p0 [hbm4b:s17+s15], $0x80, $0x38;
	[tilespmem:$0x1E840] =	vst v63  }
0x9b: {  	_ =	swait.ge @!p0 [sflag:s14], $0x80  }
0x9c: {  	s17 =	rddreg [dreg:$0x7];
	[sflag:s14] =	ssyncset.done @!p0 $0x0  }
0x9d: {  	s18 =	simm.s32 @!p0 $0x280;
	[sflag:s14] =	ssyncadd.s32 @!p0 $0xFFFFFF80;
	s17 =	sadd.s32 @!p0 s13, s17  }
0x9e: {  	[tilespmem:s18], [sflag:$0x5] =	stream.linear.gather @!p0 [hbm4b:s17+s15], $0x80, $0x38;
	[tilespmem:$0x1E840] =	vst v63  }
0x9f: {  	_ =	swait.ge @!p0 [sflag:s14], $0x80  }
0xa0: {  	[sflag:s14] =	ssyncset.done @!p0 $0x0  }
0xa1: {  	s17 =	simm.s32 @!p0 $0x2400;
	[sflag:s14] =	ssyncadd.s32 @!p0 $0xFFFFFF80  }
0xa2: {  	[tilespmem:s17], [sflag:$0x2] =	stream.indirect.gather @!p0 [spmem:s4], $0x40, s16, s16, $0xb8;
	[tilespmem:$0x1E840] =	vst v63  }
0xa3: {  	_ = 	snop  }
0xa4: {  	[spmem:s2] =	stream.indirect.scatter.add.bf16 [tilespmem:s29], [sflag:$0x5], $0x40, s28, s22, $0xb8;
	[tilespmem:$0x1E840] =	vst v63  }
0xa5: {  	_ =	swait.ge [sflag:s19], $0x2000  }
0xa6: {  	[sflag:s19] =	ssyncset.done $0x0  }
0xa7: {  	[sflag:s19] =	ssyncadd.s32 $0xFFFFE000  }
0xa8: {  	v2 =	vld [tilespmem:$0x300];
	_ =	sdelay $0x7  }
0xa9: {  	[tilespmem:v2+s6+$0x0] =	vst.idx.add.f32.msk $0xffff, v1  }
0xaa: {  	v2 =	vld [tilespmem:$0x310];
	_ =	sdelay $0x7  }
0xab: {  	[tilespmem:v2+s6+$0x0] =	vst.idx.add.f32.msk $0xffff, v1  }
0xac: {  	v2 =	vld [tilespmem:$0x320];
	_ =	sdelay $0x7  }
0xad: {  	[tilespmem:v2+s6+$0x0] =	vst.idx.add.f32.msk $0xffff, v1  }
0xae: {  	v2 =	vld [tilespmem:$0x330];
	_ =	sdelay $0x7  }
0xaf: {  	[tilespmem:v2+s6+$0x0] =	vst.idx.add.f32.msk $0xffff, v1  }
0xb0: {  	v2 =	vld [tilespmem:$0x340];
	_ =	sdelay $0x7  }
0xb1: {  	[tilespmem:v2+s6+$0x0] =	vst.idx.add.f32.msk $0xffff, v1  }
0xb2: {  	v2 =	vld [tilespmem:$0x350];
	_ =	sdelay $0x7  }
0xb3: {  	[tilespmem:v2+s6+$0x0] =	vst.idx.add.f32.msk $0xffff, v1  }
0xb4: {  	v2 =	vld [tilespmem:$0x360];
	_ =	sdelay $0x7  }
0xb5: {  	[tilespmem:v2+s6+$0x0] =	vst.idx.add.f32.msk $0xffff, v1  }
0xb6: {  	v2 =	vld [tilespmem:$0x370];
	_ =	sdelay $0x7  }
0xb7: {  	[tilespmem:v2+s6+$0x0] =	vst.idx.add.f32.msk $0xffff, v1  }
0xb8: {  	_ =	swait.ge [sflag:s10], $0x2000  }
0xb9: {  	s17 =	rddreg [dreg:$0x6];
	[sflag:s10] =	ssyncset.done $0x0  }
0xba: {  	s18 =	simm.s32 @!p0 $0x100;
	[sflag:s10] =	ssyncadd.s32 $0xFFFFE000;
	s17 =	sadd.s32 @!p0 s13, s17  }
0xbb: {  	[tilespmem:s18], [sflag:$0x5] =	stream.linear.gather @!p0 [hbm4b:s17+s15], $0x80, $0x38;
	[tilespmem:$0x1E840] =	vst v63  }
0xbc: {  	_ =	swait.ge @!p0 [sflag:s14], $0x80  }
0xbd: {  	s17 =	rddreg [dreg:$0x5];
	[sflag:s14] =	ssyncset.done @!p0 $0x0  }
0xbe: {  	s20 =	simm.s32 @!p0 $0x300;
	[sflag:s14] =	ssyncadd.s32 @!p0 $0xFFFFFF80;
	s17 =	sadd.s32 @!p0 s13, s17  }
0xbf: {  	[tilespmem:s20], [sflag:$0x5] =	stream.linear.gather @!p0 [hbm4b:s17+s15], $0x80, $0x38;
	[tilespmem:$0x1E840] =	vst v63  }
0xc0: {  	_ =	swait.ge @!p0 [sflag:s14], $0x80  }
0xc1: {  	[sflag:s14] =	ssyncset.done @!p0 $0x0  }
0xc2: {  	[sflag:s14] =	ssyncadd.s32 @!p0 $0xFFFFFF80;
	s14 =	simm.s32 @!p0 $0x4400  }
0xc3: {  	[tilespmem:s14], [sflag:$0x3] =	stream.indirect.gather @!p0 [hbm4b:s1+s16], $0x40, s18, s16, $0xb8;
	[tilespmem:$0x1E840] =	vst v63  }
0xc4: {  	_ = 	snop  }
0xc5: {  	[spmem:s2] =	stream.indirect.scatter.add.bf16 [tilespmem:s3], [sflag:$0x5], $0x40, s0, s22, $0xb8;
	[tilespmem:$0x1E840] =	vst v63  }
0xc6: {  	_ =	swait.ge [sflag:s19], $0x2000  }
0xc7: {  	[sflag:s19] =	ssyncset.done $0x0  }
0xc8: {  	[sflag:s19] =	ssyncadd.s32 $0xFFFFE000  }
0xc9: {  	v2 =	vld [tilespmem:$0x380];
	_ =	sdelay $0x7  }
0xca: {  	[tilespmem:v2+s6+$0x0] =	vst.idx.add.f32.msk $0xffff, v1  }
0xcb: {  	v2 =	vld [tilespmem:$0x390];
	_ =	sdelay $0x7  }
0xcc: {  	[tilespmem:v2+s6+$0x0] =	vst.idx.add.f32.msk $0xffff, v1  }
0xcd: {  	v2 =	vld [tilespmem:$0x3A0];
	_ =	sdelay $0x7  }
0xce: {  	[tilespmem:v2+s6+$0x0] =	vst.idx.add.f32.msk $0xffff, v1  }
0xcf: {  	v2 =	vld [tilespmem:$0x3B0];
	_ =	sdelay $0x7  }
0xd0: {  	[tilespmem:v2+s6+$0x0] =	vst.idx.add.f32.msk $0xffff, v1  }
0xd1: {  	v2 =	vld [tilespmem:$0x3C0];
	_ =	sdelay $0x7  }
0xd2: {  	[tilespmem:v2+s6+$0x0] =	vst.idx.add.f32.msk $0xffff, v1  }
0xd3: {  	v2 =	vld [tilespmem:$0x3D0];
	_ =	sdelay $0x7  }
0xd4: {  	[tilespmem:v2+s6+$0x0] =	vst.idx.add.f32.msk $0xffff, v1  }
0xd5: {  	v2 =	vld [tilespmem:$0x3E0];
	_ =	sdelay $0x7  }
0xd6: {  	[tilespmem:v2+s6+$0x0] =	vst.idx.add.f32.msk $0xffff, v1  }
0xd7: {  	v2 =	vld [tilespmem:$0x3F0];
	_ =	sdelay $0x1  }
0xd8: {  	s13 =	sadd.s32 $0x40, s13  }
0xd9: {  	p0 =	sne.s32 s13, $0x500  }
.Ltmp1:
0xda: {  	_ = 	snop;
	(pc) =	sbr.rel @p0 .LBB2_4-.Ltmp1, $2  }
0xdb: {  	_ =	sdelay $0x2  }
0xdc: {  	[tilespmem:v2+s6+$0x0] =	vst.idx.add.f32.msk $0xffff, v1  }
0xdd: {  	[bflag:$0x0] =	sbarrier.arrive $0xFFFF  }
0xde: {  	s13 =	rddreg [dreg:$0x16]  }
0xdf: {  	[hbm:s13], [sflag:s8] =	dma.local [spmem:s12], $0x1400  }
0xe0: {  	_ =	swait.ge [sflag:s19], $0x1400  }
0xe1: {  	[sflag:s19] =	ssyncset.done $0x0  }
0xe2: {  	s18 =	rddreg [dreg:$0x17];
	[sflag:s19] =	ssyncadd.s32 $0xFFFFEC00  }
0xe3: {  	[hbm4b:s18+s5] =	stream.linear.scatter [tilespmem:s6], [sflag:$0x5], $0x2800, $0x38;
	[tilespmem:$0x1E840] =	vst v63  }
0xe4: {  	_ =	swait.ge [sflag:s19], $0x2800  }
0xe5: {  	s11 =	sadd.s32 $0x1, s11;
	s20 =	rddreg [dreg:$0x18]  }
0xe6: {  	p0 =	sne.s32 s11, s20  }
.Ltmp2:
0xe7: {  	_ = 	snop;
	(pc) =	sbr.rel @p0 .LBB2_1-.Ltmp2, $3  }
0xe8: {  	_ =	sdelay $0x1  }
0xe9: {  	[sflag:s19] =	ssyncset.done $0x0  }
0xea: {  	[sflag:s19] =	ssyncadd.s32 $0xFFFFD800  }
0xeb: {  	_ =	sfence.sel $0x180000  }
0xec: {  	[bflag:$0x0] =	sbarrier.arrive $0xFFFF  }
0xed: {  	_ =	strace $0x90000047  }
0xee: {  	s0 =	stileid.u32;
	[bflag:$0x2] =	sbarrier.arrive $0xFFFF  }
0xef: {  	p0 =	sne.s32 s0, $0x0;
	s0 =	rddreg [dreg:$0x4]  }
0xf0: {  	s0 =	sadd.s32 @!p0 $0x100000, s0  }
0xf1: {  	[sflag:s0] =	ssyncadd.tile.s32 @!p0 $0x1;
	_ =	shalt  }
.Lfunc_end2:
_tile_overlayer_lowered:
.L_overlay_start_2:
0xf2: {  	(tag) =	ssettag $0x2  }
0xf3: {  	s0 =	rddreg [dreg:$0x0];
	s2 =	stileid.u32  }
0xf4: {  	s1 =	rddreg [dreg:$0x1];
	p0 =	sne.s32 s2, $0x0  }
0xf5: {  	s3 =	rddreg [dreg:$0x2];
	[bflag:$0x3] =	sbarrier.arrive $0xFFFF;
	s2 =	simm.s32 @!p0 $0x1C05  }
0xf6: {  	[timem:s3], [sflag:s2] =	dma.local @!p0 [hbm:s0], s1  }
0xf7: {  	s0 =	simm.s32 @!p0 $0x5  }
0xf8: {  	_ =	swait.ge @!p0 [sflag:s0], s1  }
0xf9: {  	s1 =	ssub.s32 @!p0 $0x0, s1;
	[sflag:s0] =	ssyncset.done @!p0 $0x0  }
0xfa: {  	[sflag:s0] =	ssyncadd.s32 @!p0 s1  }
0xfb: {  	[bflag:$0x3] =	sbarrier.arrive $0xFFFF  }
0xfc: {  	_ =	shalt  }

</sc_bundles>
